<compile_context>
chip_gen: v7x
topology: tpu7x:2x2x1
jax: 0.10.2.dev20260603
libtpu: 0.0.44.dev20260713+nightly
codegen_flags: <defaults>
</compile_context>

<pallas_src>
import functools

import jax
import jax.numpy as jnp
from jax import lax
from jax.experimental import pallas as pl
from jax.experimental.pallas import tpu as pltpu
from jax.experimental.pallas import tpu_sc as plsc

N = 10000
E = 320000
D = 128
NC = 2
NS = 16
NW = NC * NS
EPW = E // NW
C = 80
NCH = EPW // C
CB = 128
NCHB = EPW // CB
CT = EPW - NCHB * CB
NP = 10240
RPT = NP // NS
R = 1000
GRID = N // R


def _sc_aggregate(h, src2, dst2, z128, ones128=None):
  with_deg = ones128 is not None
  mesh = plsc.VectorSubcoreMesh(core_axis_name="c", subcore_axis_name="s")
  scratch = [
      pltpu.VMEM((EPW,), jnp.int32),
      pltpu.VMEM((EPW,), jnp.int32),
      pltpu.VMEM((CB,), jnp.int32),
      pltpu.VMEM((CT,), jnp.int32),
      pltpu.VMEM((CB, D), jnp.float32),
      pltpu.VMEM_SHARED((NP, D), jnp.float32),
      pltpu.SemaphoreType.DMA,
  ]
  agg_t = jax.ShapeDtypeStruct((NC, NP, D), jnp.float32)
  out_type = [agg_t, agg_t] if with_deg else agg_t

  @functools.partial(pl.kernel, mesh=mesh, out_type=out_type,
                     scratch_types=scratch)
  def k(*refs):
    if with_deg:
      (h_hbm, src_hbm, dst_hbm, z128_hbm, ones_hbm, agg_hbm, deg_hbm,
       src_v, dst_v, cv, cvt, rows_v, acc, sem) = refs
    else:
      (h_hbm, src_hbm, dst_hbm, z128_hbm, agg_hbm,
       src_v, dst_v, cv, cvt, rows_v, acc, sem) = refs
    c = lax.axis_index("c")
    s = lax.axis_index("s")
    wid = c * NS + s
    pltpu.sync_copy(src_hbm.at[wid], src_v)
    pltpu.sync_copy(dst_hbm.at[wid], dst_v)
    pltpu.sync_copy(z128_hbm, acc.at[pl.ds(s * RPT, RPT)])

    def scatter_dst_chunks(src_rows_fn):
      @pl.loop(0, NCHB)
      def _(j):
        @pl.loop(0, CB, step=16)
        def _(q):
          cv[pl.ds(q, 16)] = dst_v[pl.ds(j * CB + q, 16)]
        pltpu.sync_copy(src_rows_fn(j, CB), acc.at[cv], add=True)

      @pl.loop(0, CT, step=16)
      def _(q):
        cvt[pl.ds(q, 16)] = dst_v[pl.ds(NCHB * CB + q, 16)]
      pltpu.sync_copy(src_rows_fn(NCHB, CT), acc.at[cvt], add=True)

    def writeout(dst_hbm_arr):
      pltpu.sync_copy(acc.at[pl.ds(s * RPT, RPT)],
                      dst_hbm_arr.at[c].at[pl.ds(s * RPT, RPT)])

    if with_deg:
      pltpu.sync_copy(ones_hbm, rows_v)
      plsc.subcore_barrier()
      scatter_dst_chunks(lambda j, n: rows_v.at[pl.ds(0, n)]
                         if n != CB else rows_v)
      plsc.subcore_barrier()
      writeout(deg_hbm)
      pltpu.sync_copy(z128_hbm, acc.at[pl.ds(s * RPT, RPT)])
    plsc.subcore_barrier()

    def gather_rows(j, n):
      buf = rows_v.at[pl.ds(0, n)] if n != CB else rows_v
      pltpu.async_copy(h_hbm.at[src_v.at[pl.ds(j * CB, n)]],
                       buf, sem).wait()
      return buf

    scatter_dst_chunks(gather_rows)
    plsc.subcore_barrier()
    writeout(agg_hbm)

  if with_deg:
    return k(h, src2, dst2, z128, ones128)
  return k(h, src2, dst2, z128)


def _tc_layer(agg2, deg2, h, wlt, bl, wrt, g, be, cls=None):

  def body(*refs):
    if cls is None:
      (agg_ref, deg_ref, h_ref, wl_ref, bl_ref, wr_ref, g_ref, be_ref,
       o_ref, zbuf, acc_ref) = refs
    else:
      (agg_ref, deg_ref, h_ref, wl_ref, bl_ref, wr_ref, g_ref, be_ref,
       w1_ref, b1_ref, w2_ref, b2_ref, o_ref, p_ref, zbuf, acc_ref) = refs
    p = pl.program_id(0)
    i = pl.program_id(1)

    @pl.when(p == 0)
    def _():
      a = agg_ref[0] + agg_ref[1]
      dg = jnp.maximum(deg_ref[0, :, 0:1] + deg_ref[1, :, 0:1], 1.0)
      z = (jnp.dot(a / dg, wl_ref[...], preferred_element_type=jnp.float32)
           + bl_ref[...]
           + jnp.dot(h_ref[...], wr_ref[...],
                     preferred_element_type=jnp.float32))
      zbuf[pl.ds(i * R, R), :] = z

      @pl.when(i == 0)
      def _():
        acc_ref[...] = jnp.zeros_like(acc_ref)

      acc_ref[0:1, :] += jnp.sum(z, axis=0, keepdims=True)
      acc_ref[1:2, :] += jnp.sum(z * z, axis=0, keepdims=True)

    @pl.when(p == 1)
    def _():
      mu = acc_ref[0:1, :] * (1.0 / N)
      var = acc_ref[1:2, :] * (1.0 / N) - mu * mu
      inv = lax.rsqrt(var + 1e-5)
      z = zbuf[pl.ds(i * R, R), :]
      hv = jnp.maximum(g_ref[...] * (z - mu) * inv + be_ref[...], 0.0)
      o_ref[...] = hv
      if cls is not None:
        t = jnp.maximum(
            jnp.dot(hv, w1_ref[...], preferred_element_type=jnp.float32)
            + b1_ref[...], 0.0)
        lg = (jnp.dot(t, w2_ref[...], preferred_element_type=jnp.float32)
              + b2_ref[...])
        m = jnp.max(lg, axis=1, keepdims=True)
        e = jnp.exp(lg - m)
        p_ref[...] = e / jnp.sum(e, axis=1, keepdims=True)

  in_specs = [
      pl.BlockSpec((NC, R, D), lambda p, i: (0, i * (1 - p), 0)),
      pl.BlockSpec((NC, R, D), lambda p, i: (0, i * (1 - p), 0)),
      pl.BlockSpec((R, D), lambda p, i: (i * (1 - p), 0)),
      pl.BlockSpec((D, D), lambda p, i: (0, 0)),
      pl.BlockSpec((1, D), lambda p, i: (0, 0)),
      pl.BlockSpec((D, D), lambda p, i: (0, 0)),
      pl.BlockSpec((1, D), lambda p, i: (0, 0)),
      pl.BlockSpec((1, D), lambda p, i: (0, 0)),
  ]
  out_specs = [pl.BlockSpec((R, D), lambda p, i: (i * p, 0))]
  out_shape = [jax.ShapeDtypeStruct((N, D), jnp.float32)]
  args = [agg2, deg2, h, wlt, bl, wrt, g, be]
  if cls is not None:
    w1t, b1, w2t, b2 = cls
    in_specs += [
        pl.BlockSpec((D, 64), lambda p, i: (0, 0)),
        pl.BlockSpec((1, 64), lambda p, i: (0, 0)),
        pl.BlockSpec((64, 10), lambda p, i: (0, 0)),
        pl.BlockSpec((1, 10), lambda p, i: (0, 0)),
    ]
    out_specs += [pl.BlockSpec((R, 10), lambda p, i: (i * p, 0))]
    out_shape += [jax.ShapeDtypeStruct((N, 10), jnp.float32)]
    args += [w1t, b1, w2t, b2]

  out = pl.pallas_call(
      body,
      grid=(2, GRID),
      in_specs=in_specs,
      out_specs=out_specs,
      out_shape=out_shape,
      scratch_shapes=[pltpu.VMEM((N, D), jnp.float32),
                      pltpu.VMEM((2, D), jnp.float32)],
  )(*args)
  return out if cls is not None else out[0]


def kernel(x, edge_index, Wl0, bl0, Wr0, g0, be0, Wl1, bl1, Wr1, g1, be1,
           Wl2, bl2, Wr2, g2, be2, W1, b1, W2, b2):
  src2 = edge_index[0].reshape(NW, EPW)
  dst2 = edge_index[1].reshape(NW, EPW)
  z128 = jnp.zeros((RPT, D), jnp.float32)
  ones128 = jnp.ones((CB, D), jnp.float32)

  cls = (W1.T, b1.reshape(1, 64), W2.T, b2.reshape(1, 10))
  h = x
  for li, (Wl, bl, Wr, g, be) in enumerate(((Wl0, bl0, Wr0, g0, be0),
                                            (Wl1, bl1, Wr1, g1, be1),
                                            (Wl2, bl2, Wr2, g2, be2))):
    if li == 0:
      agg2, deg2 = _sc_aggregate(h, src2, dst2, z128, ones128)
    else:
      agg2 = _sc_aggregate(h, src2, dst2, z128)
    out = _tc_layer(agg2, deg2, h, Wl.T, bl.reshape(1, D), Wr.T,
                    g.reshape(1, D), be.reshape(1, D),
                    cls=cls if li == 2 else None)
    h = out if li < 2 else out[0]

  return (h, out[1])

# --- scband reference (transcript-rebuilt; emitter-appended) ---
"""Pipeline reference for scband-gnnbackbone-77610059039208 (READ-ONLY COPY).

The authoritative reference and input builder live on the scoring server;
editing this copy changes nothing except your own understanding.
"""

import jax, jax.numpy as jnp
import numpy as np

N = 10000
E = 320000
D_IN = 128
D_H = 128
D_OUT = 10


def setup_inputs(seed: int = 0) -> dict:
    key = jax.random.key(seed)
    ks = jax.random.split(key, 32)
    inp = {}
    inp['x'] = jax.random.normal(ks[0], (N, D_IN), dtype=jnp.float32)
    inp['edge_index'] = jax.random.randint(ks[1], (2, E), 0, N, dtype=jnp.int32)
    # SAGEConv params: lin_l (bias=True) applied to aggregated neighbors, lin_r (bias=False) applied to self
    dims = [(D_IN, D_H), (D_H, D_H), (D_H, D_H)]
    ki = 2
    for i, (din, dout) in enumerate(dims):
        s = 1.0 / np.sqrt(din)
        inp[f'Wl{i}'] = jax.random.normal(ks[ki], (dout, din), dtype=jnp.float32) * s; ki += 1
        inp[f'bl{i}'] = jnp.zeros((dout,), dtype=jnp.float32)
        inp[f'Wr{i}'] = jax.random.normal(ks[ki], (dout, din), dtype=jnp.float32) * s; ki += 1
        inp[f'g{i}'] = jnp.ones((dout,), dtype=jnp.float32)
        inp[f'be{i}'] = jnp.zeros((dout,), dtype=jnp.float32)
    # classifier: Linear(128,64) -> ReLU -> Linear(64,10)
    inp['W1'] = jax.random.normal(ks[ki], (D_H // 2, D_H), dtype=jnp.float32) * (1.0 / np.sqrt(D_H)); ki += 1
    inp['b1'] = jnp.zeros((D_H // 2,), dtype=jnp.float32)
    inp['W2'] = jax.random.normal(ks[ki], (D_OUT, D_H // 2), dtype=jnp.float32) * (1.0 / np.sqrt(D_H // 2)); ki += 1
    inp['b2'] = jnp.zeros((D_OUT,), dtype=jnp.float32)
    return inp


def _sage_conv(h, src, dst, Wl, bl, Wr):
    msg = h[src]
    agg = jax.ops.segment_sum(msg, dst, num_segments=N)
    deg = jax.ops.segment_sum(jnp.ones((msg.shape[0],), dtype=h.dtype), dst, num_segments=N)
    mean = agg / jnp.clip(deg, 1.0)[:, None]
    return mean @ Wl.T + bl + h @ Wr.T


def _batch_norm(h, g, b):
    mu = jnp.mean(h, axis=0)
    var = jnp.var(h, axis=0)
    return g * (h - mu) / jnp.sqrt(var + 1e-5) + b


def reference(x, edge_index, Wl0, bl0, Wr0, g0, be0, Wl1, bl1, Wr1, g1, be1, Wl2, bl2, Wr2, g2, be2, W1, b1, W2, b2):
    src = edge_index[0]
    dst = edge_index[1]
    h = x
    params = [(Wl0, bl0, Wr0, g0, be0), (Wl1, bl1, Wr1, g1, be1), (Wl2, bl2, Wr2, g2, be2)]
    for (Wl, bl, Wr, g, b) in params:
        h = _sage_conv(h, src, dst, Wl, bl, Wr)
        h = _batch_norm(h, g, b)
        h = jax.nn.relu(h)
        # dropout is identity in eval mode
    E_GNN = h
    logits = jax.nn.relu(E_GNN @ W1.T + b1) @ W2.T + b2
    P_GNN = jax.nn.softmax(logits, axis=-1)
    return (E_GNN, P_GNN)

if __name__ == "__main__":
    import jax
    _d = setup_inputs()
    print(jax.jit(kernel)(*tuple(_d.values())))

</pallas_src>

<mosaic_0001>
#map = affine_map<(d0, d1) -> (0, 0)>
#map1 = affine_map<(d0, d1) -> (0, 0, 0)>
module attributes {stable_mosaic.version = 14 : i64} {
  func.func @k(%arg0: i32, %arg1: i32, %arg2: memref<10000x128xf32, #tpu.memory_space<hbm>>, %arg3: memref<32x10000xi32, #tpu.memory_space<hbm>>, %arg4: memref<32x10000xi32, #tpu.memory_space<hbm>>, %arg5: memref<640x128xf32, #tpu.memory_space<hbm>>, %arg6: memref<128x128xf32, #tpu.memory_space<hbm>>, %arg7: memref<2x10240x128xf32, #tpu.memory_space<hbm>>, %arg8: memref<2x10240x128xf32, #tpu.memory_space<hbm>>, %arg9: memref<10000xi32, #tpu.memory_space<vmem>>, %arg10: memref<10000xi32, #tpu.memory_space<vmem>>, %arg11: memref<128xi32, #tpu.memory_space<vmem>>, %arg12: memref<16xi32, #tpu.memory_space<vmem>>, %arg13: memref<128x128xf32, #tpu.memory_space<vmem>>, %arg14: memref<10240x128xf32, #tpu.memory_space<vmem_shared>>, %arg15: memref<!tpu.dma_semaphore, #tpu.memory_space<semaphore_mem>>) attributes {dimension_semantics = [#tpu.dimension_semantics<core_parallel>, #tpu.dimension_semantics<subcore_parallel>], iteration_bounds = array<i64: 2, 16>, scalar_prefetch = 0 : i64, scratch_operands = 7 : i64, tpu.core_type = #tpu.core_type<sc_vector_subcore>, window_params = [{transform_indices = #map}, {transform_indices = #map}, {transform_indices = #map}, {transform_indices = #map}, {transform_indices = #map}, {transform_indices = #map1}, {transform_indices = #map1}]} {
    %mul3A = arith.constant 16 : i32
    %mul3A_0 = arith.muli %arg0, %mul3A : i32
    %add3A = arith.addi %mul3A_0, %arg1 : i32
    "tpu.region"() ({
      %run_scoped3A = tpu.sem_alloc : memref<!tpu.dma_semaphore, #tpu.memory_space<semaphore_mem>>
      %dma_start3A_67 = arith.constant 0 : i32
      %dma_start3A_68 = tpu.memref_slice %arg3[%add3A, %dma_start3A_67] : memref<32x10000xi32, #tpu.memory_space<hbm>> -> memref<1x10000xi32, #tpu.memory_space<hbm>>
      %dma_start3A_69 = tpu.memref_squeeze %dma_start3A_68 : memref<1x10000xi32, #tpu.memory_space<hbm>> -> memref<10000xi32, #tpu.memory_space<hbm>>
      %dma_start3A_70 = arith.constant 0 : i32
      %dma_start3A_71 = tpu.memref_slice %arg3[%add3A, %dma_start3A_70] : memref<32x10000xi32, #tpu.memory_space<hbm>> -> memref<1x10000xi32, #tpu.memory_space<hbm>>
      %dma_start3A_72 = tpu.memref_squeeze %dma_start3A_71 : memref<1x10000xi32, #tpu.memory_space<hbm>> -> memref<10000xi32, #tpu.memory_space<hbm>>
      tpu.enqueue_dma source(%dma_start3A_72 : memref<10000xi32, #tpu.memory_space<hbm>>) target(%arg9 : memref<10000xi32, #tpu.memory_space<vmem>>) target_semaphore(%run_scoped3A : memref<!tpu.dma_semaphore, #tpu.memory_space<semaphore_mem>>)
      %dma_wait3A_73 = arith.constant 0 : i32
      %dma_wait3A_74 = tpu.memref_slice %arg3[%add3A, %dma_wait3A_73] : memref<32x10000xi32, #tpu.memory_space<hbm>> -> memref<1x10000xi32, #tpu.memory_space<hbm>>
      %dma_wait3A_75 = tpu.memref_squeeze %dma_wait3A_74 : memref<1x10000xi32, #tpu.memory_space<hbm>> -> memref<10000xi32, #tpu.memory_space<hbm>>
      %dma_wait3A_76 = arith.constant 0 : i32
      %dma_wait3A_77 = tpu.memref_slice %arg3[%add3A, %dma_wait3A_76] : memref<32x10000xi32, #tpu.memory_space<hbm>> -> memref<1x10000xi32, #tpu.memory_space<hbm>>
      %dma_wait3A_78 = tpu.memref_squeeze %dma_wait3A_77 : memref<1x10000xi32, #tpu.memory_space<hbm>> -> memref<10000xi32, #tpu.memory_space<hbm>>
      tpu.wait_dma2 semaphore(%run_scoped3A : memref<!tpu.dma_semaphore, #tpu.memory_space<semaphore_mem>>) src(%dma_wait3A_78 : memref<10000xi32, #tpu.memory_space<hbm>>) dst(%arg9 : memref<10000xi32, #tpu.memory_space<vmem>>)
      tpu.yield
    }) : () -> ()
    "tpu.region"() ({
      %run_scoped3A = tpu.sem_alloc : memref<!tpu.dma_semaphore, #tpu.memory_space<semaphore_mem>>
      %dma_start3A_67 = arith.constant 0 : i32
      %dma_start3A_68 = tpu.memref_slice %arg4[%add3A, %dma_start3A_67] : memref<32x10000xi32, #tpu.memory_space<hbm>> -> memref<1x10000xi32, #tpu.memory_space<hbm>>
      %dma_start3A_69 = tpu.memref_squeeze %dma_start3A_68 : memref<1x10000xi32, #tpu.memory_space<hbm>> -> memref<10000xi32, #tpu.memory_space<hbm>>
      %dma_start3A_70 = arith.constant 0 : i32
      %dma_start3A_71 = tpu.memref_slice %arg4[%add3A, %dma_start3A_70] : memref<32x10000xi32, #tpu.memory_space<hbm>> -> memref<1x10000xi32, #tpu.memory_space<hbm>>
      %dma_start3A_72 = tpu.memref_squeeze %dma_start3A_71 : memref<1x10000xi32, #tpu.memory_space<hbm>> -> memref<10000xi32, #tpu.memory_space<hbm>>
      tpu.enqueue_dma source(%dma_start3A_72 : memref<10000xi32, #tpu.memory_space<hbm>>) target(%arg10 : memref<10000xi32, #tpu.memory_space<vmem>>) target_semaphore(%run_scoped3A : memref<!tpu.dma_semaphore, #tpu.memory_space<semaphore_mem>>)
      %dma_wait3A_73 = arith.constant 0 : i32
      %dma_wait3A_74 = tpu.memref_slice %arg4[%add3A, %dma_wait3A_73] : memref<32x10000xi32, #tpu.memory_space<hbm>> -> memref<1x10000xi32, #tpu.memory_space<hbm>>
      %dma_wait3A_75 = tpu.memref_squeeze %dma_wait3A_74 : memref<1x10000xi32, #tpu.memory_space<hbm>> -> memref<10000xi32, #tpu.memory_space<hbm>>
      %dma_wait3A_76 = arith.constant 0 : i32
      %dma_wait3A_77 = tpu.memref_slice %arg4[%add3A, %dma_wait3A_76] : memref<32x10000xi32, #tpu.memory_space<hbm>> -> memref<1x10000xi32, #tpu.memory_space<hbm>>
      %dma_wait3A_78 = tpu.memref_squeeze %dma_wait3A_77 : memref<1x10000xi32, #tpu.memory_space<hbm>> -> memref<10000xi32, #tpu.memory_space<hbm>>
      tpu.wait_dma2 semaphore(%run_scoped3A : memref<!tpu.dma_semaphore, #tpu.memory_space<semaphore_mem>>) src(%dma_wait3A_78 : memref<10000xi32, #tpu.memory_space<hbm>>) dst(%arg10 : memref<10000xi32, #tpu.memory_space<vmem>>)
      tpu.yield
    }) : () -> ()
    %mul3A_1 = arith.constant 640 : i32
    %mul3A_2 = arith.muli %arg1, %mul3A_1 : i32
    "tpu.region"() ({
      %run_scoped3A = tpu.sem_alloc : memref<!tpu.dma_semaphore, #tpu.memory_space<semaphore_mem>>
      %dma_start3A_67 = arith.constant 0 : i32
      %dma_start3A_68 = tpu.memref_slice %arg14[%mul3A_2, %dma_start3A_67] : memref<10240x128xf32, #tpu.memory_space<vmem_shared>> -> memref<640x128xf32, #tpu.memory_space<vmem_shared>>
      tpu.enqueue_dma source(%arg5 : memref<640x128xf32, #tpu.memory_space<hbm>>) target(%dma_start3A_68 : memref<640x128xf32, #tpu.memory_space<vmem_shared>>) target_semaphore(%run_scoped3A : memref<!tpu.dma_semaphore, #tpu.memory_space<semaphore_mem>>)
      %dma_wait3A_69 = arith.constant 0 : i32
      %dma_wait3A_70 = tpu.memref_slice %arg14[%mul3A_2, %dma_wait3A_69] : memref<10240x128xf32, #tpu.memory_space<vmem_shared>> -> memref<640x128xf32, #tpu.memory_space<vmem_shared>>
      tpu.wait_dma2 semaphore(%run_scoped3A : memref<!tpu.dma_semaphore, #tpu.memory_space<semaphore_mem>>) src(%arg5 : memref<640x128xf32, #tpu.memory_space<hbm>>) dst(%dma_wait3A_70 : memref<640x128xf32, #tpu.memory_space<vmem_shared>>)
      tpu.yield
    }) : () -> ()
    "tpu.region"() ({
      %run_scoped3A = tpu.sem_alloc : memref<!tpu.dma_semaphore, #tpu.memory_space<semaphore_mem>>
      tpu.enqueue_dma source(%arg6 : memref<128x128xf32, #tpu.memory_space<hbm>>) target(%arg13 : memref<128x128xf32, #tpu.memory_space<vmem>>) target_semaphore(%run_scoped3A : memref<!tpu.dma_semaphore, #tpu.memory_space<semaphore_mem>>)
      tpu.wait_dma2 semaphore(%run_scoped3A : memref<!tpu.dma_semaphore, #tpu.memory_space<semaphore_mem>>) src(%arg6 : memref<128x128xf32, #tpu.memory_space<hbm>>) dst(%arg13 : memref<128x128xf32, #tpu.memory_space<vmem>>)
      tpu.yield
    }) : () -> ()
    %barrier3A = arith.constant 0 : index
    tpu.barrier barrier_id(%barrier3A)
    %scan3A = arith.constant 0 : i32
    %scan3A_3 = arith.constant 78 : i32
    %scan3A_4 = arith.addi %scan3A, %scan3A_3 : i32
    %scan3A_5 = arith.constant 1 : i32
    scf.for %scan3A_67 = %scan3A to %scan3A_4 step %scan3A_5  : i32 {
      %mul3A_68 = arith.constant 1 : i32
      %mul3A_69 = arith.muli %scan3A_67, %mul3A_68 : i32
      %add3A_70 = arith.constant 0 : i32
      %add3A_71 = arith.addi %add3A_70, %mul3A_69 : i32
      %scan3A_72 = arith.constant 0 : i32
      %scan3A_73 = arith.constant 8 : i32
      %scan3A_74 = arith.addi %scan3A_72, %scan3A_73 : i32
      %scan3A_75 = arith.constant 1 : i32
      scf.for %scan3A_77 = %scan3A_72 to %scan3A_74 step %scan3A_75  : i32 {
        %mul3A_78 = arith.constant 16 : i32
        %mul3A_79 = arith.muli %scan3A_77, %mul3A_78 : i32
        %add3A_80 = arith.constant 0 : i32
        %add3A_81 = arith.addi %add3A_80, %mul3A_79 : i32
        %mul3A_82 = arith.constant 128 : i32
        %mul3A_83 = arith.muli %add3A_71, %mul3A_82 : i32
        %add3A_84 = arith.addi %mul3A_83, %add3A_81 : i32
        %get3A_85 = arith.index_cast %add3A_84 : i32 to index
        %get3A_86 = tpu.vector_load %arg10[%get3A_85] {strides = array<i32>} : memref<10000xi32, #tpu.memory_space<vmem>>, vector<16xi32>,
        %get3A_87 = vector.shape_cast %get3A_86 : vector<16xi32> to vector<16xi32>
        %swap3A_88 = arith.index_cast %add3A_81 : i32 to index
        %swap3A_89 = tpu.vector_load %arg11[%swap3A_88] {strides = array<i32>} : memref<128xi32, #tpu.memory_space<vmem>>, vector<16xi32>,
        %swap3A_90 = vector.shape_cast %swap3A_89 : vector<16xi32> to vector<16xi32>
        %swap3A_91 = vector.shape_cast %get3A_87 : vector<16xi32> to vector<16xi32>
        tpu.vector_store %arg11[%swap3A_88], %swap3A_91 {strides = array<i32>} : memref<128xi32, #tpu.memory_space<vmem>>, vector<16xi32>,
      }
      %scan3A_76 = arith.constant 8 : i32
      "tpu.region"() ({
        %run_scoped3A = tpu.sem_alloc : memref<!tpu.dma_semaphore, #tpu.memory_space<semaphore_mem>>
        %dma_start3A_77 = arith.constant 0 : i32
        %dma_start3A_78 = arith.constant 0 : i32
        %dma_start3A_79 = tpu.memref_slice %arg14[%dma_start3A_77, %dma_start3A_78] : memref<10240x128xf32, #tpu.memory_space<vmem_shared>> -> memref<10240x128xf32, #tpu.memory_space<vmem_shared>>
        tpu.enqueue_indirect_dma source(%arg13 : memref<128x128xf32, #tpu.memory_space<vmem>>) target(%dma_start3A_79 : memref<10240x128xf32, #tpu.memory_space<vmem_shared>>) offsets(%arg11 : memref<128xi32, #tpu.memory_space<vmem>>) semaphore(%run_scoped3A : memref<!tpu.dma_semaphore, #tpu.memory_space<semaphore_mem>>) {add = true}
        %dma_wait3A_80 = arith.constant 0 : i32
        %dma_wait3A_81 = arith.constant 0 : i32
        %dma_wait3A_82 = tpu.memref_slice %arg14[%dma_wait3A_80, %dma_wait3A_81] : memref<10240x128xf32, #tpu.memory_space<vmem_shared>> -> memref<10240x128xf32, #tpu.memory_space<vmem_shared>>
        tpu.wait_indirect_dma semaphore(%run_scoped3A : memref<!tpu.dma_semaphore, #tpu.memory_space<semaphore_mem>>) src(%arg13 : memref<128x128xf32, #tpu.memory_space<vmem>>) dst(%dma_wait3A_82 : memref<10240x128xf32, #tpu.memory_space<vmem_shared>>)
        tpu.yield
      }) : () -> ()
    }
    %scan3A_6 = arith.constant 78 : i32
    %scan3A_7 = arith.constant 0 : i32
    %mul3A_8 = arith.constant 16 : i32
    %mul3A_9 = arith.muli %scan3A_7, %mul3A_8 : i32
    %add3A_10 = arith.constant 0 : i32
    %add3A_11 = arith.addi %add3A_10, %mul3A_9 : i32
    %add3A_12 = arith.constant 9984 : i32
    %add3A_13 = arith.addi %add3A_12, %add3A_11 : i32
    %get3A = arith.index_cast %add3A_13 : i32 to index
    %get3A_14 = tpu.vector_load %arg10[%get3A] {strides = array<i32>} : memref<10000xi32, #tpu.memory_space<vmem>>, vector<16xi32>,
    %get3A_15 = vector.shape_cast %get3A_14 : vector<16xi32> to vector<16xi32>
    %swap3A = arith.index_cast %add3A_11 : i32 to index
    %swap3A_16 = tpu.vector_load %arg12[%swap3A] {strides = array<i32>} : memref<16xi32, #tpu.memory_space<vmem>>, vector<16xi32>,
    %swap3A_17 = vector.shape_cast %swap3A_16 : vector<16xi32> to vector<16xi32>
    %swap3A_18 = vector.shape_cast %get3A_15 : vector<16xi32> to vector<16xi32>
    tpu.vector_store %arg12[%swap3A], %swap3A_18 {strides = array<i32>} : memref<16xi32, #tpu.memory_space<vmem>>, vector<16xi32>,
    %scan3A_19 = arith.constant 1 : i32
    "tpu.region"() ({
      %run_scoped3A = tpu.sem_alloc : memref<!tpu.dma_semaphore, #tpu.memory_space<semaphore_mem>>
      %dma_start3A_67 = arith.constant 0 : i32
      %dma_start3A_68 = arith.constant 0 : i32
      %dma_start3A_69 = tpu.memref_slice %arg13[%dma_start3A_67, %dma_start3A_68] : memref<128x128xf32, #tpu.memory_space<vmem>> -> memref<16x128xf32, #tpu.memory_space<vmem>>
      %dma_start3A_70 = arith.constant 0 : i32
      %dma_start3A_71 = arith.constant 0 : i32
      %dma_start3A_72 = tpu.memref_slice %arg14[%dma_start3A_70, %dma_start3A_71] : memref<10240x128xf32, #tpu.memory_space<vmem_shared>> -> memref<10240x128xf32, #tpu.memory_space<vmem_shared>>
      tpu.enqueue_indirect_dma source(%dma_start3A_69 : memref<16x128xf32, #tpu.memory_space<vmem>>) target(%dma_start3A_72 : memref<10240x128xf32, #tpu.memory_space<vmem_shared>>) offsets(%arg12 : memref<16xi32, #tpu.memory_space<vmem>>) semaphore(%run_scoped3A : memref<!tpu.dma_semaphore, #tpu.memory_space<semaphore_mem>>) {add = true}
      %dma_wait3A_73 = arith.constant 0 : i32
      %dma_wait3A_74 = arith.constant 0 : i32
      %dma_wait3A_75 = tpu.memref_slice %arg13[%dma_wait3A_73, %dma_wait3A_74] : memref<128x128xf32, #tpu.memory_space<vmem>> -> memref<16x128xf32, #tpu.memory_space<vmem>>
      %dma_wait3A_76 = arith.constant 0 : i32
      %dma_wait3A_77 = arith.constant 0 : i32
      %dma_wait3A_78 = tpu.memref_slice %arg14[%dma_wait3A_76, %dma_wait3A_77] : memref<10240x128xf32, #tpu.memory_space<vmem_shared>> -> memref<10240x128xf32, #tpu.memory_space<vmem_shared>>
      tpu.wait_indirect_dma semaphore(%run_scoped3A : memref<!tpu.dma_semaphore, #tpu.memory_space<semaphore_mem>>) src(%dma_wait3A_75 : memref<16x128xf32, #tpu.memory_space<vmem>>) dst(%dma_wait3A_78 : memref<10240x128xf32, #tpu.memory_space<vmem_shared>>)
      tpu.yield
    }) : () -> ()
    %barrier3A_20 = arith.constant 0 : index
    tpu.barrier barrier_id(%barrier3A_20)
    %mul3A_21 = arith.constant 640 : i32
    %mul3A_22 = arith.muli %arg1, %mul3A_21 : i32
    %mul3A_23 = arith.constant 640 : i32
    %mul3A_24 = arith.muli %arg1, %mul3A_23 : i32
    "tpu.region"() ({
      %run_scoped3A = tpu.sem_alloc : memref<!tpu.dma_semaphore, #tpu.memory_space<semaphore_mem>>
      %dma_start3A_67 = arith.constant 0 : i32
      %dma_start3A_68 = arith.constant 0 : i32
      %dma_start3A_69 = tpu.memref_slice %arg8[%arg0, %dma_start3A_67, %dma_start3A_68] : memref<2x10240x128xf32, #tpu.memory_space<hbm>> -> memref<1x10240x128xf32, #tpu.memory_space<hbm>>
      %dma_start3A_70 = tpu.memref_squeeze %dma_start3A_69 : memref<1x10240x128xf32, #tpu.memory_space<hbm>> -> memref<10240x128xf32, #tpu.memory_space<hbm>>
      %dma_start3A_71 = arith.constant 0 : i32
      %dma_start3A_72 = tpu.memref_slice %dma_start3A_70[%mul3A_24, %dma_start3A_71] : memref<10240x128xf32, #tpu.memory_space<hbm>> -> memref<640x128xf32, #tpu.memory_space<hbm>>
      %dma_start3A_73 = arith.constant 0 : i32
      %dma_start3A_74 = tpu.memref_slice %arg14[%mul3A_22, %dma_start3A_73] : memref<10240x128xf32, #tpu.memory_space<vmem_shared>> -> memref<640x128xf32, #tpu.memory_space<vmem_shared>>
      tpu.enqueue_dma source(%dma_start3A_74 : memref<640x128xf32, #tpu.memory_space<vmem_shared>>) target(%dma_start3A_72 : memref<640x128xf32, #tpu.memory_space<hbm>>) target_semaphore(%run_scoped3A : memref<!tpu.dma_semaphore, #tpu.memory_space<semaphore_mem>>)
      %dma_wait3A_75 = arith.constant 0 : i32
      %dma_wait3A_76 = arith.constant 0 : i32
      %dma_wait3A_77 = tpu.memref_slice %arg8[%arg0, %dma_wait3A_75, %dma_wait3A_76] : memref<2x10240x128xf32, #tpu.memory_space<hbm>> -> memref<1x10240x128xf32, #tpu.memory_space<hbm>>
      %dma_wait3A_78 = tpu.memref_squeeze %dma_wait3A_77 : memref<1x10240x128xf32, #tpu.memory_space<hbm>> -> memref<10240x128xf32, #tpu.memory_space<hbm>>
      %dma_wait3A_79 = arith.constant 0 : i32
      %dma_wait3A_80 = tpu.memref_slice %dma_wait3A_78[%mul3A_24, %dma_wait3A_79] : memref<10240x128xf32, #tpu.memory_space<hbm>> -> memref<640x128xf32, #tpu.memory_space<hbm>>
      %dma_wait3A_81 = arith.constant 0 : i32
      %dma_wait3A_82 = tpu.memref_slice %arg14[%mul3A_22, %dma_wait3A_81] : memref<10240x128xf32, #tpu.memory_space<vmem_shared>> -> memref<640x128xf32, #tpu.memory_space<vmem_shared>>
      tpu.wait_dma2 semaphore(%run_scoped3A : memref<!tpu.dma_semaphore, #tpu.memory_space<semaphore_mem>>) src(%dma_wait3A_82 : memref<640x128xf32, #tpu.memory_space<vmem_shared>>) dst(%dma_wait3A_80 : memref<640x128xf32, #tpu.memory_space<hbm>>)
      tpu.yield
    }) : () -> ()
    %mul3A_25 = arith.constant 640 : i32
    %mul3A_26 = arith.muli %arg1, %mul3A_25 : i32
    "tpu.region"() ({
      %run_scoped3A = tpu.sem_alloc : memref<!tpu.dma_semaphore, #tpu.memory_space<semaphore_mem>>
      %dma_start3A_67 = arith.constant 0 : i32
      %dma_start3A_68 = tpu.memref_slice %arg14[%mul3A_26, %dma_start3A_67] : memref<10240x128xf32, #tpu.memory_space<vmem_shared>> -> memref<640x128xf32, #tpu.memory_space<vmem_shared>>
      tpu.enqueue_dma source(%arg5 : memref<640x128xf32, #tpu.memory_space<hbm>>) target(%dma_start3A_68 : memref<640x128xf32, #tpu.memory_space<vmem_shared>>) target_semaphore(%run_scoped3A : memref<!tpu.dma_semaphore, #tpu.memory_space<semaphore_mem>>)
      %dma_wait3A_69 = arith.constant 0 : i32
      %dma_wait3A_70 = tpu.memref_slice %arg14[%mul3A_26, %dma_wait3A_69] : memref<10240x128xf32, #tpu.memory_space<vmem_shared>> -> memref<640x128xf32, #tpu.memory_space<vmem_shared>>
      tpu.wait_dma2 semaphore(%run_scoped3A : memref<!tpu.dma_semaphore, #tpu.memory_space<semaphore_mem>>) src(%arg5 : memref<640x128xf32, #tpu.memory_space<hbm>>) dst(%dma_wait3A_70 : memref<640x128xf32, #tpu.memory_space<vmem_shared>>)
      tpu.yield
    }) : () -> ()
    %barrier3A_27 = arith.constant 0 : index
    tpu.barrier barrier_id(%barrier3A_27)
    %scan3A_28 = arith.constant 0 : i32
    %scan3A_29 = arith.constant 78 : i32
    %scan3A_30 = arith.addi %scan3A_28, %scan3A_29 : i32
    %scan3A_31 = arith.constant 1 : i32
    scf.for %scan3A_67 = %scan3A_28 to %scan3A_30 step %scan3A_31  : i32 {
      %mul3A_68 = arith.constant 1 : i32
      %mul3A_69 = arith.muli %scan3A_67, %mul3A_68 : i32
      %add3A_70 = arith.constant 0 : i32
      %add3A_71 = arith.addi %add3A_70, %mul3A_69 : i32
      %scan3A_72 = arith.constant 0 : i32
      %scan3A_73 = arith.constant 8 : i32
      %scan3A_74 = arith.addi %scan3A_72, %scan3A_73 : i32
      %scan3A_75 = arith.constant 1 : i32
      scf.for %scan3A_87 = %scan3A_72 to %scan3A_74 step %scan3A_75  : i32 {
        %mul3A_88 = arith.constant 16 : i32
        %mul3A_89 = arith.muli %scan3A_87, %mul3A_88 : i32
        %add3A_90 = arith.constant 0 : i32
        %add3A_91 = arith.addi %add3A_90, %mul3A_89 : i32
        %mul3A_92 = arith.constant 128 : i32
        %mul3A_93 = arith.muli %add3A_71, %mul3A_92 : i32
        %add3A_94 = arith.addi %mul3A_93, %add3A_91 : i32
        %get3A_95 = arith.index_cast %add3A_94 : i32 to index
        %get3A_96 = tpu.vector_load %arg10[%get3A_95] {strides = array<i32>} : memref<10000xi32, #tpu.memory_space<vmem>>, vector<16xi32>,
        %get3A_97 = vector.shape_cast %get3A_96 : vector<16xi32> to vector<16xi32>
        %swap3A_98 = arith.index_cast %add3A_91 : i32 to index
        %swap3A_99 = tpu.vector_load %arg11[%swap3A_98] {strides = array<i32>} : memref<128xi32, #tpu.memory_space<vmem>>, vector<16xi32>,
        %swap3A_100 = vector.shape_cast %swap3A_99 : vector<16xi32> to vector<16xi32>
        %swap3A_101 = vector.shape_cast %get3A_97 : vector<16xi32> to vector<16xi32>
        tpu.vector_store %arg11[%swap3A_98], %swap3A_101 {strides = array<i32>} : memref<128xi32, #tpu.memory_space<vmem>>, vector<16xi32>,
      }
      %scan3A_76 = arith.constant 8 : i32
      %mul3A_77 = arith.constant 128 : i32
      %mul3A_78 = arith.muli %add3A_71, %mul3A_77 : i32
      %dma_start3A_79 = tpu.memref_slice %arg9[%mul3A_78] : memref<10000xi32, #tpu.memory_space<vmem>> -> memref<128xi32, #tpu.memory_space<vmem>>
      %dma_start3A_80 = arith.constant 0 : i32
      %dma_start3A_81 = arith.constant 0 : i32
      %dma_start3A_82 = tpu.memref_slice %arg2[%dma_start3A_80, %dma_start3A_81] : memref<10000x128xf32, #tpu.memory_space<hbm>> -> memref<10000x128xf32, #tpu.memory_space<hbm>>
      tpu.enqueue_indirect_dma source(%dma_start3A_82 : memref<10000x128xf32, #tpu.memory_space<hbm>>) target(%arg13 : memref<128x128xf32, #tpu.memory_space<vmem>>) offsets(%dma_start3A_79 : memref<128xi32, #tpu.memory_space<vmem>>) semaphore(%arg15 : memref<!tpu.dma_semaphore, #tpu.memory_space<semaphore_mem>>)
      %dma_wait3A_83 = tpu.memref_slice %arg9[%mul3A_78] : memref<10000xi32, #tpu.memory_space<vmem>> -> memref<128xi32, #tpu.memory_space<vmem>>
      %dma_wait3A_84 = arith.constant 0 : i32
      %dma_wait3A_85 = arith.constant 0 : i32
      %dma_wait3A_86 = tpu.memref_slice %arg2[%dma_wait3A_84, %dma_wait3A_85] : memref<10000x128xf32, #tpu.memory_space<hbm>> -> memref<10000x128xf32, #tpu.memory_space<hbm>>
      tpu.wait_indirect_dma semaphore(%arg15 : memref<!tpu.dma_semaphore, #tpu.memory_space<semaphore_mem>>) src(%dma_wait3A_86 : memref<10000x128xf32, #tpu.memory_space<hbm>>) dst(%arg13 : memref<128x128xf32, #tpu.memory_space<vmem>>)
      "tpu.region"() ({
        %run_scoped3A = tpu.sem_alloc : memref<!tpu.dma_semaphore, #tpu.memory_space<semaphore_mem>>
        %dma_start3A_87 = arith.constant 0 : i32
        %dma_start3A_88 = arith.constant 0 : i32
        %dma_start3A_89 = tpu.memref_slice %arg14[%dma_start3A_87, %dma_start3A_88] : memref<10240x128xf32, #tpu.memory_space<vmem_shared>> -> memref<10240x128xf32, #tpu.memory_space<vmem_shared>>
        tpu.enqueue_indirect_dma source(%arg13 : memref<128x128xf32, #tpu.memory_space<vmem>>) target(%dma_start3A_89 : memref<10240x128xf32, #tpu.memory_space<vmem_shared>>) offsets(%arg11 : memref<128xi32, #tpu.memory_space<vmem>>) semaphore(%run_scoped3A : memref<!tpu.dma_semaphore, #tpu.memory_space<semaphore_mem>>) {add = true}
        %dma_wait3A_90 = arith.constant 0 : i32
        %dma_wait3A_91 = arith.constant 0 : i32
        %dma_wait3A_92 = tpu.memref_slice %arg14[%dma_wait3A_90, %dma_wait3A_91] : memref<10240x128xf32, #tpu.memory_space<vmem_shared>> -> memref<10240x128xf32, #tpu.memory_space<vmem_shared>>
        tpu.wait_indirect_dma semaphore(%run_scoped3A : memref<!tpu.dma_semaphore, #tpu.memory_space<semaphore_mem>>) src(%arg13 : memref<128x128xf32, #tpu.memory_space<vmem>>) dst(%dma_wait3A_92 : memref<10240x128xf32, #tpu.memory_space<vmem_shared>>)
        tpu.yield
      }) : () -> ()
    }
    %scan3A_32 = arith.constant 78 : i32
    %scan3A_33 = arith.constant 0 : i32
    %mul3A_34 = arith.constant 16 : i32
    %mul3A_35 = arith.muli %scan3A_33, %mul3A_34 : i32
    %add3A_36 = arith.constant 0 : i32
    %add3A_37 = arith.addi %add3A_36, %mul3A_35 : i32
    %add3A_38 = arith.constant 9984 : i32
    %add3A_39 = arith.addi %add3A_38, %add3A_37 : i32
    %get3A_40 = arith.index_cast %add3A_39 : i32 to index
    %get3A_41 = tpu.vector_load %arg10[%get3A_40] {strides = array<i32>} : memref<10000xi32, #tpu.memory_space<vmem>>, vector<16xi32>,
    %get3A_42 = vector.shape_cast %get3A_41 : vector<16xi32> to vector<16xi32>
    %swap3A_43 = arith.index_cast %add3A_37 : i32 to index
    %swap3A_44 = tpu.vector_load %arg12[%swap3A_43] {strides = array<i32>} : memref<16xi32, #tpu.memory_space<vmem>>, vector<16xi32>,
    %swap3A_45 = vector.shape_cast %swap3A_44 : vector<16xi32> to vector<16xi32>
    %swap3A_46 = vector.shape_cast %get3A_42 : vector<16xi32> to vector<16xi32>
    tpu.vector_store %arg12[%swap3A_43], %swap3A_46 {strides = array<i32>} : memref<16xi32, #tpu.memory_space<vmem>>, vector<16xi32>,
    %scan3A_47 = arith.constant 1 : i32
    %dma_start3A = arith.constant 0 : i32
    %dma_start3A_48 = arith.constant 0 : i32
    %dma_start3A_49 = tpu.memref_slice %arg13[%dma_start3A, %dma_start3A_48] : memref<128x128xf32, #tpu.memory_space<vmem>> -> memref<16x128xf32, #tpu.memory_space<vmem>>
    %dma_start3A_50 = arith.constant 9984 : i32
    %dma_start3A_51 = tpu.memref_slice %arg9[%dma_start3A_50] : memref<10000xi32, #tpu.memory_space<vmem>> -> memref<16xi32, #tpu.memory_space<vmem>>
    %dma_start3A_52 = arith.constant 0 : i32
    %dma_start3A_53 = arith.constant 0 : i32
    %dma_start3A_54 = tpu.memref_slice %arg2[%dma_start3A_52, %dma_start3A_53] : memref<10000x128xf32, #tpu.memory_space<hbm>> -> memref<10000x128xf32, #tpu.memory_space<hbm>>
    tpu.enqueue_indirect_dma source(%dma_start3A_54 : memref<10000x128xf32, #tpu.memory_space<hbm>>) target(%dma_start3A_49 : memref<16x128xf32, #tpu.memory_space<vmem>>) offsets(%dma_start3A_51 : memref<16xi32, #tpu.memory_space<vmem>>) semaphore(%arg15 : memref<!tpu.dma_semaphore, #tpu.memory_space<semaphore_mem>>)
    %dma_wait3A = arith.constant 0 : i32
    %dma_wait3A_55 = arith.constant 0 : i32
    %dma_wait3A_56 = tpu.memref_slice %arg13[%dma_wait3A, %dma_wait3A_55] : memref<128x128xf32, #tpu.memory_space<vmem>> -> memref<16x128xf32, #tpu.memory_space<vmem>>
    %dma_wait3A_57 = arith.constant 9984 : i32
    %dma_wait3A_58 = tpu.memref_slice %arg9[%dma_wait3A_57] : memref<10000xi32, #tpu.memory_space<vmem>> -> memref<16xi32, #tpu.memory_space<vmem>>
    %dma_wait3A_59 = arith.constant 0 : i32
    %dma_wait3A_60 = arith.constant 0 : i32
    %dma_wait3A_61 = tpu.memref_slice %arg2[%dma_wait3A_59, %dma_wait3A_60] : memref<10000x128xf32, #tpu.memory_space<hbm>> -> memref<10000x128xf32, #tpu.memory_space<hbm>>
    tpu.wait_indirect_dma semaphore(%arg15 : memref<!tpu.dma_semaphore, #tpu.memory_space<semaphore_mem>>) src(%dma_wait3A_61 : memref<10000x128xf32, #tpu.memory_space<hbm>>) dst(%dma_wait3A_56 : memref<16x128xf32, #tpu.memory_space<vmem>>)
    "tpu.region"() ({
      %run_scoped3A = tpu.sem_alloc : memref<!tpu.dma_semaphore, #tpu.memory_space<semaphore_mem>>
      %dma_start3A_67 = arith.constant 0 : i32
      %dma_start3A_68 = arith.constant 0 : i32
      %dma_start3A_69 = tpu.memref_slice %arg13[%dma_start3A_67, %dma_start3A_68] : memref<128x128xf32, #tpu.memory_space<vmem>> -> memref<16x128xf32, #tpu.memory_space<vmem>>
      %dma_start3A_70 = arith.constant 0 : i32
      %dma_start3A_71 = arith.constant 0 : i32
      %dma_start3A_72 = tpu.memref_slice %arg14[%dma_start3A_70, %dma_start3A_71] : memref<10240x128xf32, #tpu.memory_space<vmem_shared>> -> memref<10240x128xf32, #tpu.memory_space<vmem_shared>>
      tpu.enqueue_indirect_dma source(%dma_start3A_69 : memref<16x128xf32, #tpu.memory_space<vmem>>) target(%dma_start3A_72 : memref<10240x128xf32, #tpu.memory_space<vmem_shared>>) offsets(%arg12 : memref<16xi32, #tpu.memory_space<vmem>>) semaphore(%run_scoped3A : memref<!tpu.dma_semaphore, #tpu.memory_space<semaphore_mem>>) {add = true}
      %dma_wait3A_73 = arith.constant 0 : i32
      %dma_wait3A_74 = arith.constant 0 : i32
      %dma_wait3A_75 = tpu.memref_slice %arg13[%dma_wait3A_73, %dma_wait3A_74] : memref<128x128xf32, #tpu.memory_space<vmem>> -> memref<16x128xf32, #tpu.memory_space<vmem>>
      %dma_wait3A_76 = arith.constant 0 : i32
      %dma_wait3A_77 = arith.constant 0 : i32
      %dma_wait3A_78 = tpu.memref_slice %arg14[%dma_wait3A_76, %dma_wait3A_77] : memref<10240x128xf32, #tpu.memory_space<vmem_shared>> -> memref<10240x128xf32, #tpu.memory_space<vmem_shared>>
      tpu.wait_indirect_dma semaphore(%run_scoped3A : memref<!tpu.dma_semaphore, #tpu.memory_space<semaphore_mem>>) src(%dma_wait3A_75 : memref<16x128xf32, #tpu.memory_space<vmem>>) dst(%dma_wait3A_78 : memref<10240x128xf32, #tpu.memory_space<vmem_shared>>)
      tpu.yield
    }) : () -> ()
    %barrier3A_62 = arith.constant 0 : index
    tpu.barrier barrier_id(%barrier3A_62)
    %mul3A_63 = arith.constant 640 : i32
    %mul3A_64 = arith.muli %arg1, %mul3A_63 : i32
    %mul3A_65 = arith.constant 640 : i32
    %mul3A_66 = arith.muli %arg1, %mul3A_65 : i32
    "tpu.region"() ({
      %run_scoped3A = tpu.sem_alloc : memref<!tpu.dma_semaphore, #tpu.memory_space<semaphore_mem>>
      %dma_start3A_67 = arith.constant 0 : i32
      %dma_start3A_68 = arith.constant 0 : i32
      %dma_start3A_69 = tpu.memref_slice %arg7[%arg0, %dma_start3A_67, %dma_start3A_68] : memref<2x10240x128xf32, #tpu.memory_space<hbm>> -> memref<1x10240x128xf32, #tpu.memory_space<hbm>>
      %dma_start3A_70 = tpu.memref_squeeze %dma_start3A_69 : memref<1x10240x128xf32, #tpu.memory_space<hbm>> -> memref<10240x128xf32, #tpu.memory_space<hbm>>
      %dma_start3A_71 = arith.constant 0 : i32
      %dma_start3A_72 = tpu.memref_slice %dma_start3A_70[%mul3A_66, %dma_start3A_71] : memref<10240x128xf32, #tpu.memory_space<hbm>> -> memref<640x128xf32, #tpu.memory_space<hbm>>
      %dma_start3A_73 = arith.constant 0 : i32
      %dma_start3A_74 = tpu.memref_slice %arg14[%mul3A_64, %dma_start3A_73] : memref<10240x128xf32, #tpu.memory_space<vmem_shared>> -> memref<640x128xf32, #tpu.memory_space<vmem_shared>>
      tpu.enqueue_dma source(%dma_start3A_74 : memref<640x128xf32, #tpu.memory_space<vmem_shared>>) target(%dma_start3A_72 : memref<640x128xf32, #tpu.memory_space<hbm>>) target_semaphore(%run_scoped3A : memref<!tpu.dma_semaphore, #tpu.memory_space<semaphore_mem>>)
      %dma_wait3A_75 = arith.constant 0 : i32
      %dma_wait3A_76 = arith.constant 0 : i32
      %dma_wait3A_77 = tpu.memref_slice %arg7[%arg0, %dma_wait3A_75, %dma_wait3A_76] : memref<2x10240x128xf32, #tpu.memory_space<hbm>> -> memref<1x10240x128xf32, #tpu.memory_space<hbm>>
      %dma_wait3A_78 = tpu.memref_squeeze %dma_wait3A_77 : memref<1x10240x128xf32, #tpu.memory_space<hbm>> -> memref<10240x128xf32, #tpu.memory_space<hbm>>
      %dma_wait3A_79 = arith.constant 0 : i32
      %dma_wait3A_80 = tpu.memref_slice %dma_wait3A_78[%mul3A_66, %dma_wait3A_79] : memref<10240x128xf32, #tpu.memory_space<hbm>> -> memref<640x128xf32, #tpu.memory_space<hbm>>
      %dma_wait3A_81 = arith.constant 0 : i32
      %dma_wait3A_82 = tpu.memref_slice %arg14[%mul3A_64, %dma_wait3A_81] : memref<10240x128xf32, #tpu.memory_space<vmem_shared>> -> memref<640x128xf32, #tpu.memory_space<vmem_shared>>
      tpu.wait_dma2 semaphore(%run_scoped3A : memref<!tpu.dma_semaphore, #tpu.memory_space<semaphore_mem>>) src(%dma_wait3A_82 : memref<640x128xf32, #tpu.memory_space<vmem_shared>>) dst(%dma_wait3A_80 : memref<640x128xf32, #tpu.memory_space<hbm>>)
      tpu.yield
    }) : () -> ()
    return
  }
}

#map = affine_map<(d0, d1) -> (0, 0)>
#map1 = affine_map<(d0, d1) -> (0, 0, 0)>
module attributes {stable_mosaic.version = 14 : i64} {
  func.func @k(%arg0: i32, %arg1: i32, %arg2: memref<10000x128xf32, #tpu.memory_space<hbm>>, %arg3: memref<32x10000xi32, #tpu.memory_space<hbm>>, %arg4: memref<32x10000xi32, #tpu.memory_space<hbm>>, %arg5: memref<640x128xf32, #tpu.memory_space<hbm>>, %arg6: memref<2x10240x128xf32, #tpu.memory_space<hbm>>, %arg7: memref<10000xi32, #tpu.memory_space<vmem>>, %arg8: memref<10000xi32, #tpu.memory_space<vmem>>, %arg9: memref<128xi32, #tpu.memory_space<vmem>>, %arg10: memref<16xi32, #tpu.memory_space<vmem>>, %arg11: memref<128x128xf32, #tpu.memory_space<vmem>>, %arg12: memref<10240x128xf32, #tpu.memory_space<vmem_shared>>, %arg13: memref<!tpu.dma_semaphore, #tpu.memory_space<semaphore_mem>>) attributes {dimension_semantics = [#tpu.dimension_semantics<core_parallel>, #tpu.dimension_semantics<subcore_parallel>], iteration_bounds = array<i64: 2, 16>, scalar_prefetch = 0 : i64, scratch_operands = 7 : i64, tpu.core_type = #tpu.core_type<sc_vector_subcore>, window_params = [{transform_indices = #map}, {transform_indices = #map}, {transform_indices = #map}, {transform_indices = #map}, {transform_indices = #map1}]} {
    %mul3A = arith.constant 16 : i32
    %mul3A_0 = arith.muli %arg0, %mul3A : i32
    %add3A = arith.addi %mul3A_0, %arg1 : i32
    "tpu.region"() ({
      %run_scoped3A = tpu.sem_alloc : memref<!tpu.dma_semaphore, #tpu.memory_space<semaphore_mem>>
      %dma_start3A_39 = arith.constant 0 : i32
      %dma_start3A_40 = tpu.memref_slice %arg3[%add3A, %dma_start3A_39] : memref<32x10000xi32, #tpu.memory_space<hbm>> -> memref<1x10000xi32, #tpu.memory_space<hbm>>
      %dma_start3A_41 = tpu.memref_squeeze %dma_start3A_40 : memref<1x10000xi32, #tpu.memory_space<hbm>> -> memref<10000xi32, #tpu.memory_space<hbm>>
      %dma_start3A_42 = arith.constant 0 : i32
      %dma_start3A_43 = tpu.memref_slice %arg3[%add3A, %dma_start3A_42] : memref<32x10000xi32, #tpu.memory_space<hbm>> -> memref<1x10000xi32, #tpu.memory_space<hbm>>
      %dma_start3A_44 = tpu.memref_squeeze %dma_start3A_43 : memref<1x10000xi32, #tpu.memory_space<hbm>> -> memref<10000xi32, #tpu.memory_space<hbm>>
      tpu.enqueue_dma source(%dma_start3A_44 : memref<10000xi32, #tpu.memory_space<hbm>>) target(%arg7 : memref<10000xi32, #tpu.memory_space<vmem>>) target_semaphore(%run_scoped3A : memref<!tpu.dma_semaphore, #tpu.memory_space<semaphore_mem>>)
      %dma_wait3A_45 = arith.constant 0 : i32
      %dma_wait3A_46 = tpu.memref_slice %arg3[%add3A, %dma_wait3A_45] : memref<32x10000xi32, #tpu.memory_space<hbm>> -> memref<1x10000xi32, #tpu.memory_space<hbm>>
      %dma_wait3A_47 = tpu.memref_squeeze %dma_wait3A_46 : memref<1x10000xi32, #tpu.memory_space<hbm>> -> memref<10000xi32, #tpu.memory_space<hbm>>
      %dma_wait3A_48 = arith.constant 0 : i32
      %dma_wait3A_49 = tpu.memref_slice %arg3[%add3A, %dma_wait3A_48] : memref<32x10000xi32, #tpu.memory_space<hbm>> -> memref<1x10000xi32, #tpu.memory_space<hbm>>
      %dma_wait3A_50 = tpu.memref_squeeze %dma_wait3A_49 : memref<1x10000xi32, #tpu.memory_space<hbm>> -> memref<10000xi32, #tpu.memory_space<hbm>>
      tpu.wait_dma2 semaphore(%run_scoped3A : memref<!tpu.dma_semaphore, #tpu.memory_space<semaphore_mem>>) src(%dma_wait3A_50 : memref<10000xi32, #tpu.memory_space<hbm>>) dst(%arg7 : memref<10000xi32, #tpu.memory_space<vmem>>)
      tpu.yield
    }) : () -> ()
    "tpu.region"() ({
      %run_scoped3A = tpu.sem_alloc : memref<!tpu.dma_semaphore, #tpu.memory_space<semaphore_mem>>
      %dma_start3A_39 = arith.constant 0 : i32
      %dma_start3A_40 = tpu.memref_slice %arg4[%add3A, %dma_start3A_39] : memref<32x10000xi32, #tpu.memory_space<hbm>> -> memref<1x10000xi32, #tpu.memory_space<hbm>>
      %dma_start3A_41 = tpu.memref_squeeze %dma_start3A_40 : memref<1x10000xi32, #tpu.memory_space<hbm>> -> memref<10000xi32, #tpu.memory_space<hbm>>
      %dma_start3A_42 = arith.constant 0 : i32
      %dma_start3A_43 = tpu.memref_slice %arg4[%add3A, %dma_start3A_42] : memref<32x10000xi32, #tpu.memory_space<hbm>> -> memref<1x10000xi32, #tpu.memory_space<hbm>>
      %dma_start3A_44 = tpu.memref_squeeze %dma_start3A_43 : memref<1x10000xi32, #tpu.memory_space<hbm>> -> memref<10000xi32, #tpu.memory_space<hbm>>
      tpu.enqueue_dma source(%dma_start3A_44 : memref<10000xi32, #tpu.memory_space<hbm>>) target(%arg8 : memref<10000xi32, #tpu.memory_space<vmem>>) target_semaphore(%run_scoped3A : memref<!tpu.dma_semaphore, #tpu.memory_space<semaphore_mem>>)
      %dma_wait3A_45 = arith.constant 0 : i32
      %dma_wait3A_46 = tpu.memref_slice %arg4[%add3A, %dma_wait3A_45] : memref<32x10000xi32, #tpu.memory_space<hbm>> -> memref<1x10000xi32, #tpu.memory_space<hbm>>
      %dma_wait3A_47 = tpu.memref_squeeze %dma_wait3A_46 : memref<1x10000xi32, #tpu.memory_space<hbm>> -> memref<10000xi32, #tpu.memory_space<hbm>>
      %dma_wait3A_48 = arith.constant 0 : i32
      %dma_wait3A_49 = tpu.memref_slice %arg4[%add3A, %dma_wait3A_48] : memref<32x10000xi32, #tpu.memory_space<hbm>> -> memref<1x10000xi32, #tpu.memory_space<hbm>>
      %dma_wait3A_50 = tpu.memref_squeeze %dma_wait3A_49 : memref<1x10000xi32, #tpu.memory_space<hbm>> -> memref<10000xi32, #tpu.memory_space<hbm>>
      tpu.wait_dma2 semaphore(%run_scoped3A : memref<!tpu.dma_semaphore, #tpu.memory_space<semaphore_mem>>) src(%dma_wait3A_50 : memref<10000xi32, #tpu.memory_space<hbm>>) dst(%arg8 : memref<10000xi32, #tpu.memory_space<vmem>>)
      tpu.yield
    }) : () -> ()
    %mul3A_1 = arith.constant 640 : i32
    %mul3A_2 = arith.muli %arg1, %mul3A_1 : i32
    "tpu.region"() ({
      %run_scoped3A = tpu.sem_alloc : memref<!tpu.dma_semaphore, #tpu.memory_space<semaphore_mem>>
      %dma_start3A_39 = arith.constant 0 : i32
      %dma_start3A_40 = tpu.memref_slice %arg12[%mul3A_2, %dma_start3A_39] : memref<10240x128xf32, #tpu.memory_space<vmem_shared>> -> memref<640x128xf32, #tpu.memory_space<vmem_shared>>
      tpu.enqueue_dma source(%arg5 : memref<640x128xf32, #tpu.memory_space<hbm>>) target(%dma_start3A_40 : memref<640x128xf32, #tpu.memory_space<vmem_shared>>) target_semaphore(%run_scoped3A : memref<!tpu.dma_semaphore, #tpu.memory_space<semaphore_mem>>)
      %dma_wait3A_41 = arith.constant 0 : i32
      %dma_wait3A_42 = tpu.memref_slice %arg12[%mul3A_2, %dma_wait3A_41] : memref<10240x128xf32, #tpu.memory_space<vmem_shared>> -> memref<640x128xf32, #tpu.memory_space<vmem_shared>>
      tpu.wait_dma2 semaphore(%run_scoped3A : memref<!tpu.dma_semaphore, #tpu.memory_space<semaphore_mem>>) src(%arg5 : memref<640x128xf32, #tpu.memory_space<hbm>>) dst(%dma_wait3A_42 : memref<640x128xf32, #tpu.memory_space<vmem_shared>>)
      tpu.yield
    }) : () -> ()
    %barrier3A = arith.constant 0 : index
    tpu.barrier barrier_id(%barrier3A)
    %scan3A = arith.constant 0 : i32
    %scan3A_3 = arith.constant 78 : i32
    %scan3A_4 = arith.addi %scan3A, %scan3A_3 : i32
    %scan3A_5 = arith.constant 1 : i32
    scf.for %scan3A_39 = %scan3A to %scan3A_4 step %scan3A_5  : i32 {
      %mul3A_40 = arith.constant 1 : i32
      %mul3A_41 = arith.muli %scan3A_39, %mul3A_40 : i32
      %add3A_42 = arith.constant 0 : i32
      %add3A_43 = arith.addi %add3A_42, %mul3A_41 : i32
      %scan3A_44 = arith.constant 0 : i32
      %scan3A_45 = arith.constant 8 : i32
      %scan3A_46 = arith.addi %scan3A_44, %scan3A_45 : i32
      %scan3A_47 = arith.constant 1 : i32
      scf.for %scan3A_59 = %scan3A_44 to %scan3A_46 step %scan3A_47  : i32 {
        %mul3A_60 = arith.constant 16 : i32
        %mul3A_61 = arith.muli %scan3A_59, %mul3A_60 : i32
        %add3A_62 = arith.constant 0 : i32
        %add3A_63 = arith.addi %add3A_62, %mul3A_61 : i32
        %mul3A_64 = arith.constant 128 : i32
        %mul3A_65 = arith.muli %add3A_43, %mul3A_64 : i32
        %add3A_66 = arith.addi %mul3A_65, %add3A_63 : i32
        %get3A_67 = arith.index_cast %add3A_66 : i32 to index
        %get3A_68 = tpu.vector_load %arg8[%get3A_67] {strides = array<i32>} : memref<10000xi32, #tpu.memory_space<vmem>>, vector<16xi32>,
        %get3A_69 = vector.shape_cast %get3A_68 : vector<16xi32> to vector<16xi32>
        %swap3A_70 = arith.index_cast %add3A_63 : i32 to index
        %swap3A_71 = tpu.vector_load %arg9[%swap3A_70] {strides = array<i32>} : memref<128xi32, #tpu.memory_space<vmem>>, vector<16xi32>,
        %swap3A_72 = vector.shape_cast %swap3A_71 : vector<16xi32> to vector<16xi32>
        %swap3A_73 = vector.shape_cast %get3A_69 : vector<16xi32> to vector<16xi32>
        tpu.vector_store %arg9[%swap3A_70], %swap3A_73 {strides = array<i32>} : memref<128xi32, #tpu.memory_space<vmem>>, vector<16xi32>,
      }
      %scan3A_48 = arith.constant 8 : i32
      %mul3A_49 = arith.constant 128 : i32
      %mul3A_50 = arith.muli %add3A_43, %mul3A_49 : i32
      %dma_start3A_51 = tpu.memref_slice %arg7[%mul3A_50] : memref<10000xi32, #tpu.memory_space<vmem>> -> memref<128xi32, #tpu.memory_space<vmem>>
      %dma_start3A_52 = arith.constant 0 : i32
      %dma_start3A_53 = arith.constant 0 : i32
      %dma_start3A_54 = tpu.memref_slice %arg2[%dma_start3A_52, %dma_start3A_53] : memref<10000x128xf32, #tpu.memory_space<hbm>> -> memref<10000x128xf32, #tpu.memory_space<hbm>>
      tpu.enqueue_indirect_dma source(%dma_start3A_54 : memref<10000x128xf32, #tpu.memory_space<hbm>>) target(%arg11 : memref<128x128xf32, #tpu.memory_space<vmem>>) offsets(%dma_start3A_51 : memref<128xi32, #tpu.memory_space<vmem>>) semaphore(%arg13 : memref<!tpu.dma_semaphore, #tpu.memory_space<semaphore_mem>>)
      %dma_wait3A_55 = tpu.memref_slice %arg7[%mul3A_50] : memref<10000xi32, #tpu.memory_space<vmem>> -> memref<128xi32, #tpu.memory_space<vmem>>
      %dma_wait3A_56 = arith.constant 0 : i32
      %dma_wait3A_57 = arith.constant 0 : i32
      %dma_wait3A_58 = tpu.memref_slice %arg2[%dma_wait3A_56, %dma_wait3A_57] : memref<10000x128xf32, #tpu.memory_space<hbm>> -> memref<10000x128xf32, #tpu.memory_space<hbm>>
      tpu.wait_indirect_dma semaphore(%arg13 : memref<!tpu.dma_semaphore, #tpu.memory_space<semaphore_mem>>) src(%dma_wait3A_58 : memref<10000x128xf32, #tpu.memory_space<hbm>>) dst(%arg11 : memref<128x128xf32, #tpu.memory_space<vmem>>)
      "tpu.region"() ({
        %run_scoped3A = tpu.sem_alloc : memref<!tpu.dma_semaphore, #tpu.memory_space<semaphore_mem>>
        %dma_start3A_59 = arith.constant 0 : i32
        %dma_start3A_60 = arith.constant 0 : i32
        %dma_start3A_61 = tpu.memref_slice %arg12[%dma_start3A_59, %dma_start3A_60] : memref<10240x128xf32, #tpu.memory_space<vmem_shared>> -> memref<10240x128xf32, #tpu.memory_space<vmem_shared>>
        tpu.enqueue_indirect_dma source(%arg11 : memref<128x128xf32, #tpu.memory_space<vmem>>) target(%dma_start3A_61 : memref<10240x128xf32, #tpu.memory_space<vmem_shared>>) offsets(%arg9 : memref<128xi32, #tpu.memory_space<vmem>>) semaphore(%run_scoped3A : memref<!tpu.dma_semaphore, #tpu.memory_space<semaphore_mem>>) {add = true}
        %dma_wait3A_62 = arith.constant 0 : i32
        %dma_wait3A_63 = arith.constant 0 : i32
        %dma_wait3A_64 = tpu.memref_slice %arg12[%dma_wait3A_62, %dma_wait3A_63] : memref<10240x128xf32, #tpu.memory_space<vmem_shared>> -> memref<10240x128xf32, #tpu.memory_space<vmem_shared>>
        tpu.wait_indirect_dma semaphore(%run_scoped3A : memref<!tpu.dma_semaphore, #tpu.memory_space<semaphore_mem>>) src(%arg11 : memref<128x128xf32, #tpu.memory_space<vmem>>) dst(%dma_wait3A_64 : memref<10240x128xf32, #tpu.memory_space<vmem_shared>>)
        tpu.yield
      }) : () -> ()
    }
    %scan3A_6 = arith.constant 78 : i32
    %scan3A_7 = arith.constant 0 : i32
    %mul3A_8 = arith.constant 16 : i32
    %mul3A_9 = arith.muli %scan3A_7, %mul3A_8 : i32
    %add3A_10 = arith.constant 0 : i32
    %add3A_11 = arith.addi %add3A_10, %mul3A_9 : i32
    %add3A_12 = arith.constant 9984 : i32
    %add3A_13 = arith.addi %add3A_12, %add3A_11 : i32
    %get3A = arith.index_cast %add3A_13 : i32 to index
    %get3A_14 = tpu.vector_load %arg8[%get3A] {strides = array<i32>} : memref<10000xi32, #tpu.memory_space<vmem>>, vector<16xi32>,
    %get3A_15 = vector.shape_cast %get3A_14 : vector<16xi32> to vector<16xi32>
    %swap3A = arith.index_cast %add3A_11 : i32 to index
    %swap3A_16 = tpu.vector_load %arg10[%swap3A] {strides = array<i32>} : memref<16xi32, #tpu.memory_space<vmem>>, vector<16xi32>,
    %swap3A_17 = vector.shape_cast %swap3A_16 : vector<16xi32> to vector<16xi32>
    %swap3A_18 = vector.shape_cast %get3A_15 : vector<16xi32> to vector<16xi32>
    tpu.vector_store %arg10[%swap3A], %swap3A_18 {strides = array<i32>} : memref<16xi32, #tpu.memory_space<vmem>>, vector<16xi32>,
    %scan3A_19 = arith.constant 1 : i32
    %dma_start3A = arith.constant 0 : i32
    %dma_start3A_20 = arith.constant 0 : i32
    %dma_start3A_21 = tpu.memref_slice %arg11[%dma_start3A, %dma_start3A_20] : memref<128x128xf32, #tpu.memory_space<vmem>> -> memref<16x128xf32, #tpu.memory_space<vmem>>
    %dma_start3A_22 = arith.constant 9984 : i32
    %dma_start3A_23 = tpu.memref_slice %arg7[%dma_start3A_22] : memref<10000xi32, #tpu.memory_space<vmem>> -> memref<16xi32, #tpu.memory_space<vmem>>
    %dma_start3A_24 = arith.constant 0 : i32
    %dma_start3A_25 = arith.constant 0 : i32
    %dma_start3A_26 = tpu.memref_slice %arg2[%dma_start3A_24, %dma_start3A_25] : memref<10000x128xf32, #tpu.memory_space<hbm>> -> memref<10000x128xf32, #tpu.memory_space<hbm>>
    tpu.enqueue_indirect_dma source(%dma_start3A_26 : memref<10000x128xf32, #tpu.memory_space<hbm>>) target(%dma_start3A_21 : memref<16x128xf32, #tpu.memory_space<vmem>>) offsets(%dma_start3A_23 : memref<16xi32, #tpu.memory_space<vmem>>) semaphore(%arg13 : memref<!tpu.dma_semaphore, #tpu.memory_space<semaphore_mem>>)
    %dma_wait3A = arith.constant 0 : i32
    %dma_wait3A_27 = arith.constant 0 : i32
    %dma_wait3A_28 = tpu.memref_slice %arg11[%dma_wait3A, %dma_wait3A_27] : memref<128x128xf32, #tpu.memory_space<vmem>> -> memref<16x128xf32, #tpu.memory_space<vmem>>
    %dma_wait3A_29 = arith.constant 9984 : i32
    %dma_wait3A_30 = tpu.memref_slice %arg7[%dma_wait3A_29] : memref<10000xi32, #tpu.memory_space<vmem>> -> memref<16xi32, #tpu.memory_space<vmem>>
    %dma_wait3A_31 = arith.constant 0 : i32
    %dma_wait3A_32 = arith.constant 0 : i32
    %dma_wait3A_33 = tpu.memref_slice %arg2[%dma_wait3A_31, %dma_wait3A_32] : memref<10000x128xf32, #tpu.memory_space<hbm>> -> memref<10000x128xf32, #tpu.memory_space<hbm>>
    tpu.wait_indirect_dma semaphore(%arg13 : memref<!tpu.dma_semaphore, #tpu.memory_space<semaphore_mem>>) src(%dma_wait3A_33 : memref<10000x128xf32, #tpu.memory_space<hbm>>) dst(%dma_wait3A_28 : memref<16x128xf32, #tpu.memory_space<vmem>>)
    "tpu.region"() ({
      %run_scoped3A = tpu.sem_alloc : memref<!tpu.dma_semaphore, #tpu.memory_space<semaphore_mem>>
      %dma_start3A_39 = arith.constant 0 : i32
      %dma_start3A_40 = arith.constant 0 : i32
      %dma_start3A_41 = tpu.memref_slice %arg11[%dma_start3A_39, %dma_start3A_40] : memref<128x128xf32, #tpu.memory_space<vmem>> -> memref<16x128xf32, #tpu.memory_space<vmem>>
      %dma_start3A_42 = arith.constant 0 : i32
      %dma_start3A_43 = arith.constant 0 : i32
      %dma_start3A_44 = tpu.memref_slice %arg12[%dma_start3A_42, %dma_start3A_43] : memref<10240x128xf32, #tpu.memory_space<vmem_shared>> -> memref<10240x128xf32, #tpu.memory_space<vmem_shared>>
      tpu.enqueue_indirect_dma source(%dma_start3A_41 : memref<16x128xf32, #tpu.memory_space<vmem>>) target(%dma_start3A_44 : memref<10240x128xf32, #tpu.memory_space<vmem_shared>>) offsets(%arg10 : memref<16xi32, #tpu.memory_space<vmem>>) semaphore(%run_scoped3A : memref<!tpu.dma_semaphore, #tpu.memory_space<semaphore_mem>>) {add = true}
      %dma_wait3A_45 = arith.constant 0 : i32
      %dma_wait3A_46 = arith.constant 0 : i32
      %dma_wait3A_47 = tpu.memref_slice %arg11[%dma_wait3A_45, %dma_wait3A_46] : memref<128x128xf32, #tpu.memory_space<vmem>> -> memref<16x128xf32, #tpu.memory_space<vmem>>
      %dma_wait3A_48 = arith.constant 0 : i32
      %dma_wait3A_49 = arith.constant 0 : i32
      %dma_wait3A_50 = tpu.memref_slice %arg12[%dma_wait3A_48, %dma_wait3A_49] : memref<10240x128xf32, #tpu.memory_space<vmem_shared>> -> memref<10240x128xf32, #tpu.memory_space<vmem_shared>>
      tpu.wait_indirect_dma semaphore(%run_scoped3A : memref<!tpu.dma_semaphore, #tpu.memory_space<semaphore_mem>>) src(%dma_wait3A_47 : memref<16x128xf32, #tpu.memory_space<vmem>>) dst(%dma_wait3A_50 : memref<10240x128xf32, #tpu.memory_space<vmem_shared>>)
      tpu.yield
    }) : () -> ()
    %barrier3A_34 = arith.constant 0 : index
    tpu.barrier barrier_id(%barrier3A_34)
    %mul3A_35 = arith.constant 640 : i32
    %mul3A_36 = arith.muli %arg1, %mul3A_35 : i32
    %mul3A_37 = arith.constant 640 : i32
    %mul3A_38 = arith.muli %arg1, %mul3A_37 : i32
    "tpu.region"() ({
      %run_scoped3A = tpu.sem_alloc : memref<!tpu.dma_semaphore, #tpu.memory_space<semaphore_mem>>
      %dma_start3A_39 = arith.constant 0 : i32
      %dma_start3A_40 = arith.constant 0 : i32
      %dma_start3A_41 = tpu.memref_slice %arg6[%arg0, %dma_start3A_39, %dma_start3A_40] : memref<2x10240x128xf32, #tpu.memory_space<hbm>> -> memref<1x10240x128xf32, #tpu.memory_space<hbm>>
      %dma_start3A_42 = tpu.memref_squeeze %dma_start3A_41 : memref<1x10240x128xf32, #tpu.memory_space<hbm>> -> memref<10240x128xf32, #tpu.memory_space<hbm>>
      %dma_start3A_43 = arith.constant 0 : i32
      %dma_start3A_44 = tpu.memref_slice %dma_start3A_42[%mul3A_38, %dma_start3A_43] : memref<10240x128xf32, #tpu.memory_space<hbm>> -> memref<640x128xf32, #tpu.memory_space<hbm>>
      %dma_start3A_45 = arith.constant 0 : i32
      %dma_start3A_46 = tpu.memref_slice %arg12[%mul3A_36, %dma_start3A_45] : memref<10240x128xf32, #tpu.memory_space<vmem_shared>> -> memref<640x128xf32, #tpu.memory_space<vmem_shared>>
      tpu.enqueue_dma source(%dma_start3A_46 : memref<640x128xf32, #tpu.memory_space<vmem_shared>>) target(%dma_start3A_44 : memref<640x128xf32, #tpu.memory_space<hbm>>) target_semaphore(%run_scoped3A : memref<!tpu.dma_semaphore, #tpu.memory_space<semaphore_mem>>)
      %dma_wait3A_47 = arith.constant 0 : i32
      %dma_wait3A_48 = arith.constant 0 : i32
      %dma_wait3A_49 = tpu.memref_slice %arg6[%arg0, %dma_wait3A_47, %dma_wait3A_48] : memref<2x10240x128xf32, #tpu.memory_space<hbm>> -> memref<1x10240x128xf32, #tpu.memory_space<hbm>>
      %dma_wait3A_50 = tpu.memref_squeeze %dma_wait3A_49 : memref<1x10240x128xf32, #tpu.memory_space<hbm>> -> memref<10240x128xf32, #tpu.memory_space<hbm>>
      %dma_wait3A_51 = arith.constant 0 : i32
      %dma_wait3A_52 = tpu.memref_slice %dma_wait3A_50[%mul3A_38, %dma_wait3A_51] : memref<10240x128xf32, #tpu.memory_space<hbm>> -> memref<640x128xf32, #tpu.memory_space<hbm>>
      %dma_wait3A_53 = arith.constant 0 : i32
      %dma_wait3A_54 = tpu.memref_slice %arg12[%mul3A_36, %dma_wait3A_53] : memref<10240x128xf32, #tpu.memory_space<vmem_shared>> -> memref<640x128xf32, #tpu.memory_space<vmem_shared>>
      tpu.wait_dma2 semaphore(%run_scoped3A : memref<!tpu.dma_semaphore, #tpu.memory_space<semaphore_mem>>) src(%dma_wait3A_54 : memref<640x128xf32, #tpu.memory_space<vmem_shared>>) dst(%dma_wait3A_52 : memref<640x128xf32, #tpu.memory_space<hbm>>)
      tpu.yield
    }) : () -> ()
    return
  }
}

#map = affine_map<(d0, d1) -> (0, 0)>
#map1 = affine_map<(d0, d1) -> (0, 0, 0)>
module attributes {stable_mosaic.version = 14 : i64} {
  func.func @k(%arg0: i32, %arg1: i32, %arg2: memref<10000x128xf32, #tpu.memory_space<hbm>>, %arg3: memref<32x10000xi32, #tpu.memory_space<hbm>>, %arg4: memref<32x10000xi32, #tpu.memory_space<hbm>>, %arg5: memref<640x128xf32, #tpu.memory_space<hbm>>, %arg6: memref<2x10240x128xf32, #tpu.memory_space<hbm>>, %arg7: memref<10000xi32, #tpu.memory_space<vmem>>, %arg8: memref<10000xi32, #tpu.memory_space<vmem>>, %arg9: memref<128xi32, #tpu.memory_space<vmem>>, %arg10: memref<16xi32, #tpu.memory_space<vmem>>, %arg11: memref<128x128xf32, #tpu.memory_space<vmem>>, %arg12: memref<10240x128xf32, #tpu.memory_space<vmem_shared>>, %arg13: memref<!tpu.dma_semaphore, #tpu.memory_space<semaphore_mem>>) attributes {dimension_semantics = [#tpu.dimension_semantics<core_parallel>, #tpu.dimension_semantics<subcore_parallel>], iteration_bounds = array<i64: 2, 16>, scalar_prefetch = 0 : i64, scratch_operands = 7 : i64, tpu.core_type = #tpu.core_type<sc_vector_subcore>, window_params = [{transform_indices = #map}, {transform_indices = #map}, {transform_indices = #map}, {transform_indices = #map}, {transform_indices = #map1}]} {
    %mul3A = arith.constant 16 : i32
    %mul3A_0 = arith.muli %arg0, %mul3A : i32
    %add3A = arith.addi %mul3A_0, %arg1 : i32
    "tpu.region"() ({
      %run_scoped3A = tpu.sem_alloc : memref<!tpu.dma_semaphore, #tpu.memory_space<semaphore_mem>>
      %dma_start3A_39 = arith.constant 0 : i32
      %dma_start3A_40 = tpu.memref_slice %arg3[%add3A, %dma_start3A_39] : memref<32x10000xi32, #tpu.memory_space<hbm>> -> memref<1x10000xi32, #tpu.memory_space<hbm>>
      %dma_start3A_41 = tpu.memref_squeeze %dma_start3A_40 : memref<1x10000xi32, #tpu.memory_space<hbm>> -> memref<10000xi32, #tpu.memory_space<hbm>>
      %dma_start3A_42 = arith.constant 0 : i32
      %dma_start3A_43 = tpu.memref_slice %arg3[%add3A, %dma_start3A_42] : memref<32x10000xi32, #tpu.memory_space<hbm>> -> memref<1x10000xi32, #tpu.memory_space<hbm>>
      %dma_start3A_44 = tpu.memref_squeeze %dma_start3A_43 : memref<1x10000xi32, #tpu.memory_space<hbm>> -> memref<10000xi32, #tpu.memory_space<hbm>>
      tpu.enqueue_dma source(%dma_start3A_44 : memref<10000xi32, #tpu.memory_space<hbm>>) target(%arg7 : memref<10000xi32, #tpu.memory_space<vmem>>) target_semaphore(%run_scoped3A : memref<!tpu.dma_semaphore, #tpu.memory_space<semaphore_mem>>)
      %dma_wait3A_45 = arith.constant 0 : i32
      %dma_wait3A_46 = tpu.memref_slice %arg3[%add3A, %dma_wait3A_45] : memref<32x10000xi32, #tpu.memory_space<hbm>> -> memref<1x10000xi32, #tpu.memory_space<hbm>>
      %dma_wait3A_47 = tpu.memref_squeeze %dma_wait3A_46 : memref<1x10000xi32, #tpu.memory_space<hbm>> -> memref<10000xi32, #tpu.memory_space<hbm>>
      %dma_wait3A_48 = arith.constant 0 : i32
      %dma_wait3A_49 = tpu.memref_slice %arg3[%add3A, %dma_wait3A_48] : memref<32x10000xi32, #tpu.memory_space<hbm>> -> memref<1x10000xi32, #tpu.memory_space<hbm>>
      %dma_wait3A_50 = tpu.memref_squeeze %dma_wait3A_49 : memref<1x10000xi32, #tpu.memory_space<hbm>> -> memref<10000xi32, #tpu.memory_space<hbm>>
      tpu.wait_dma2 semaphore(%run_scoped3A : memref<!tpu.dma_semaphore, #tpu.memory_space<semaphore_mem>>) src(%dma_wait3A_50 : memref<10000xi32, #tpu.memory_space<hbm>>) dst(%arg7 : memref<10000xi32, #tpu.memory_space<vmem>>)
      tpu.yield
    }) : () -> ()
    "tpu.region"() ({
      %run_scoped3A = tpu.sem_alloc : memref<!tpu.dma_semaphore, #tpu.memory_space<semaphore_mem>>
      %dma_start3A_39 = arith.constant 0 : i32
      %dma_start3A_40 = tpu.memref_slice %arg4[%add3A, %dma_start3A_39] : memref<32x10000xi32, #tpu.memory_space<hbm>> -> memref<1x10000xi32, #tpu.memory_space<hbm>>
      %dma_start3A_41 = tpu.memref_squeeze %dma_start3A_40 : memref<1x10000xi32, #tpu.memory_space<hbm>> -> memref<10000xi32, #tpu.memory_space<hbm>>
      %dma_start3A_42 = arith.constant 0 : i32
      %dma_start3A_43 = tpu.memref_slice %arg4[%add3A, %dma_start3A_42] : memref<32x10000xi32, #tpu.memory_space<hbm>> -> memref<1x10000xi32, #tpu.memory_space<hbm>>
      %dma_start3A_44 = tpu.memref_squeeze %dma_start3A_43 : memref<1x10000xi32, #tpu.memory_space<hbm>> -> memref<10000xi32, #tpu.memory_space<hbm>>
      tpu.enqueue_dma source(%dma_start3A_44 : memref<10000xi32, #tpu.memory_space<hbm>>) target(%arg8 : memref<10000xi32, #tpu.memory_space<vmem>>) target_semaphore(%run_scoped3A : memref<!tpu.dma_semaphore, #tpu.memory_space<semaphore_mem>>)
      %dma_wait3A_45 = arith.constant 0 : i32
      %dma_wait3A_46 = tpu.memref_slice %arg4[%add3A, %dma_wait3A_45] : memref<32x10000xi32, #tpu.memory_space<hbm>> -> memref<1x10000xi32, #tpu.memory_space<hbm>>
      %dma_wait3A_47 = tpu.memref_squeeze %dma_wait3A_46 : memref<1x10000xi32, #tpu.memory_space<hbm>> -> memref<10000xi32, #tpu.memory_space<hbm>>
      %dma_wait3A_48 = arith.constant 0 : i32
      %dma_wait3A_49 = tpu.memref_slice %arg4[%add3A, %dma_wait3A_48] : memref<32x10000xi32, #tpu.memory_space<hbm>> -> memref<1x10000xi32, #tpu.memory_space<hbm>>
      %dma_wait3A_50 = tpu.memref_squeeze %dma_wait3A_49 : memref<1x10000xi32, #tpu.memory_space<hbm>> -> memref<10000xi32, #tpu.memory_space<hbm>>
      tpu.wait_dma2 semaphore(%run_scoped3A : memref<!tpu.dma_semaphore, #tpu.memory_space<semaphore_mem>>) src(%dma_wait3A_50 : memref<10000xi32, #tpu.memory_space<hbm>>) dst(%arg8 : memref<10000xi32, #tpu.memory_space<vmem>>)
      tpu.yield
    }) : () -> ()
    %mul3A_1 = arith.constant 640 : i32
    %mul3A_2 = arith.muli %arg1, %mul3A_1 : i32
    "tpu.region"() ({
      %run_scoped3A = tpu.sem_alloc : memref<!tpu.dma_semaphore, #tpu.memory_space<semaphore_mem>>
      %dma_start3A_39 = arith.constant 0 : i32
      %dma_start3A_40 = tpu.memref_slice %arg12[%mul3A_2, %dma_start3A_39] : memref<10240x128xf32, #tpu.memory_space<vmem_shared>> -> memref<640x128xf32, #tpu.memory_space<vmem_shared>>
      tpu.enqueue_dma source(%arg5 : memref<640x128xf32, #tpu.memory_space<hbm>>) target(%dma_start3A_40 : memref<640x128xf32, #tpu.memory_space<vmem_shared>>) target_semaphore(%run_scoped3A : memref<!tpu.dma_semaphore, #tpu.memory_space<semaphore_mem>>)
      %dma_wait3A_41 = arith.constant 0 : i32
      %dma_wait3A_42 = tpu.memref_slice %arg12[%mul3A_2, %dma_wait3A_41] : memref<10240x128xf32, #tpu.memory_space<vmem_shared>> -> memref<640x128xf32, #tpu.memory_space<vmem_shared>>
      tpu.wait_dma2 semaphore(%run_scoped3A : memref<!tpu.dma_semaphore, #tpu.memory_space<semaphore_mem>>) src(%arg5 : memref<640x128xf32, #tpu.memory_space<hbm>>) dst(%dma_wait3A_42 : memref<640x128xf32, #tpu.memory_space<vmem_shared>>)
      tpu.yield
    }) : () -> ()
    %barrier3A = arith.constant 0 : index
    tpu.barrier barrier_id(%barrier3A)
    %scan3A = arith.constant 0 : i32
    %scan3A_3 = arith.constant 78 : i32
    %scan3A_4 = arith.addi %scan3A, %scan3A_3 : i32
    %scan3A_5 = arith.constant 1 : i32
    scf.for %scan3A_39 = %scan3A to %scan3A_4 step %scan3A_5  : i32 {
      %mul3A_40 = arith.constant 1 : i32
      %mul3A_41 = arith.muli %scan3A_39, %mul3A_40 : i32
      %add3A_42 = arith.constant 0 : i32
      %add3A_43 = arith.addi %add3A_42, %mul3A_41 : i32
      %scan3A_44 = arith.constant 0 : i32
      %scan3A_45 = arith.constant 8 : i32
      %scan3A_46 = arith.addi %scan3A_44, %scan3A_45 : i32
      %scan3A_47 = arith.constant 1 : i32
      scf.for %scan3A_59 = %scan3A_44 to %scan3A_46 step %scan3A_47  : i32 {
        %mul3A_60 = arith.constant 16 : i32
        %mul3A_61 = arith.muli %scan3A_59, %mul3A_60 : i32
        %add3A_62 = arith.constant 0 : i32
        %add3A_63 = arith.addi %add3A_62, %mul3A_61 : i32
        %mul3A_64 = arith.constant 128 : i32
        %mul3A_65 = arith.muli %add3A_43, %mul3A_64 : i32
        %add3A_66 = arith.addi %mul3A_65, %add3A_63 : i32
        %get3A_67 = arith.index_cast %add3A_66 : i32 to index
        %get3A_68 = tpu.vector_load %arg8[%get3A_67] {strides = array<i32>} : memref<10000xi32, #tpu.memory_space<vmem>>, vector<16xi32>,
        %get3A_69 = vector.shape_cast %get3A_68 : vector<16xi32> to vector<16xi32>
        %swap3A_70 = arith.index_cast %add3A_63 : i32 to index
        %swap3A_71 = tpu.vector_load %arg9[%swap3A_70] {strides = array<i32>} : memref<128xi32, #tpu.memory_space<vmem>>, vector<16xi32>,
        %swap3A_72 = vector.shape_cast %swap3A_71 : vector<16xi32> to vector<16xi32>
        %swap3A_73 = vector.shape_cast %get3A_69 : vector<16xi32> to vector<16xi32>
        tpu.vector_store %arg9[%swap3A_70], %swap3A_73 {strides = array<i32>} : memref<128xi32, #tpu.memory_space<vmem>>, vector<16xi32>,
      }
      %scan3A_48 = arith.constant 8 : i32
      %mul3A_49 = arith.constant 128 : i32
      %mul3A_50 = arith.muli %add3A_43, %mul3A_49 : i32
      %dma_start3A_51 = tpu.memref_slice %arg7[%mul3A_50] : memref<10000xi32, #tpu.memory_space<vmem>> -> memref<128xi32, #tpu.memory_space<vmem>>
      %dma_start3A_52 = arith.constant 0 : i32
      %dma_start3A_53 = arith.constant 0 : i32
      %dma_start3A_54 = tpu.memref_slice %arg2[%dma_start3A_52, %dma_start3A_53] : memref<10000x128xf32, #tpu.memory_space<hbm>> -> memref<10000x128xf32, #tpu.memory_space<hbm>>
      tpu.enqueue_indirect_dma source(%dma_start3A_54 : memref<10000x128xf32, #tpu.memory_space<hbm>>) target(%arg11 : memref<128x128xf32, #tpu.memory_space<vmem>>) offsets(%dma_start3A_51 : memref<128xi32, #tpu.memory_space<vmem>>) semaphore(%arg13 : memref<!tpu.dma_semaphore, #tpu.memory_space<semaphore_mem>>)
      %dma_wait3A_55 = tpu.memref_slice %arg7[%mul3A_50] : memref<10000xi32, #tpu.memory_space<vmem>> -> memref<128xi32, #tpu.memory_space<vmem>>
      %dma_wait3A_56 = arith.constant 0 : i32
      %dma_wait3A_57 = arith.constant 0 : i32
      %dma_wait3A_58 = tpu.memref_slice %arg2[%dma_wait3A_56, %dma_wait3A_57] : memref<10000x128xf32, #tpu.memory_space<hbm>> -> memref<10000x128xf32, #tpu.memory_space<hbm>>
      tpu.wait_indirect_dma semaphore(%arg13 : memref<!tpu.dma_semaphore, #tpu.memory_space<semaphore_mem>>) src(%dma_wait3A_58 : memref<10000x128xf32, #tpu.memory_space<hbm>>) dst(%arg11 : memref<128x128xf32, #tpu.memory_space<vmem>>)
      "tpu.region"() ({
        %run_scoped3A = tpu.sem_alloc : memref<!tpu.dma_semaphore, #tpu.memory_space<semaphore_mem>>
        %dma_start3A_59 = arith.constant 0 : i32
        %dma_start3A_60 = arith.constant 0 : i32
        %dma_start3A_61 = tpu.memref_slice %arg12[%dma_start3A_59, %dma_start3A_60] : memref<10240x128xf32, #tpu.memory_space<vmem_shared>> -> memref<10240x128xf32, #tpu.memory_space<vmem_shared>>
        tpu.enqueue_indirect_dma source(%arg11 : memref<128x128xf32, #tpu.memory_space<vmem>>) target(%dma_start3A_61 : memref<10240x128xf32, #tpu.memory_space<vmem_shared>>) offsets(%arg9 : memref<128xi32, #tpu.memory_space<vmem>>) semaphore(%run_scoped3A : memref<!tpu.dma_semaphore, #tpu.memory_space<semaphore_mem>>) {add = true}
        %dma_wait3A_62 = arith.constant 0 : i32
        %dma_wait3A_63 = arith.constant 0 : i32
        %dma_wait3A_64 = tpu.memref_slice %arg12[%dma_wait3A_62, %dma_wait3A_63] : memref<10240x128xf32, #tpu.memory_space<vmem_shared>> -> memref<10240x128xf32, #tpu.memory_space<vmem_shared>>
        tpu.wait_indirect_dma semaphore(%run_scoped3A : memref<!tpu.dma_semaphore, #tpu.memory_space<semaphore_mem>>) src(%arg11 : memref<128x128xf32, #tpu.memory_space<vmem>>) dst(%dma_wait3A_64 : memref<10240x128xf32, #tpu.memory_space<vmem_shared>>)
        tpu.yield
      }) : () -> ()
    }
    %scan3A_6 = arith.constant 78 : i32
    %scan3A_7 = arith.constant 0 : i32
    %mul3A_8 = arith.constant 16 : i32
    %mul3A_9 = arith.muli %scan3A_7, %mul3A_8 : i32
    %add3A_10 = arith.constant 0 : i32
    %add3A_11 = arith.addi %add3A_10, %mul3A_9 : i32
    %add3A_12 = arith.constant 9984 : i32
    %add3A_13 = arith.addi %add3A_12, %add3A_11 : i32
    %get3A = arith.index_cast %add3A_13 : i32 to index
    %get3A_14 = tpu.vector_load %arg8[%get3A] {strides = array<i32>} : memref<10000xi32, #tpu.memory_space<vmem>>, vector<16xi32>,
    %get3A_15 = vector.shape_cast %get3A_14 : vector<16xi32> to vector<16xi32>
    %swap3A = arith.index_cast %add3A_11 : i32 to index
    %swap3A_16 = tpu.vector_load %arg10[%swap3A] {strides = array<i32>} : memref<16xi32, #tpu.memory_space<vmem>>, vector<16xi32>,
    %swap3A_17 = vector.shape_cast %swap3A_16 : vector<16xi32> to vector<16xi32>
    %swap3A_18 = vector.shape_cast %get3A_15 : vector<16xi32> to vector<16xi32>
    tpu.vector_store %arg10[%swap3A], %swap3A_18 {strides = array<i32>} : memref<16xi32, #tpu.memory_space<vmem>>, vector<16xi32>,
    %scan3A_19 = arith.constant 1 : i32
    %dma_start3A = arith.constant 0 : i32
    %dma_start3A_20 = arith.constant 0 : i32
    %dma_start3A_21 = tpu.memref_slice %arg11[%dma_start3A, %dma_start3A_20] : memref<128x128xf32, #tpu.memory_space<vmem>> -> memref<16x128xf32, #tpu.memory_space<vmem>>
    %dma_start3A_22 = arith.constant 9984 : i32
    %dma_start3A_23 = tpu.memref_slice %arg7[%dma_start3A_22] : memref<10000xi32, #tpu.memory_space<vmem>> -> memref<16xi32, #tpu.memory_space<vmem>>
    %dma_start3A_24 = arith.constant 0 : i32
    %dma_start3A_25 = arith.constant 0 : i32
    %dma_start3A_26 = tpu.memref_slice %arg2[%dma_start3A_24, %dma_start3A_25] : memref<10000x128xf32, #tpu.memory_space<hbm>> -> memref<10000x128xf32, #tpu.memory_space<hbm>>
    tpu.enqueue_indirect_dma source(%dma_start3A_26 : memref<10000x128xf32, #tpu.memory_space<hbm>>) target(%dma_start3A_21 : memref<16x128xf32, #tpu.memory_space<vmem>>) offsets(%dma_start3A_23 : memref<16xi32, #tpu.memory_space<vmem>>) semaphore(%arg13 : memref<!tpu.dma_semaphore, #tpu.memory_space<semaphore_mem>>)
    %dma_wait3A = arith.constant 0 : i32
    %dma_wait3A_27 = arith.constant 0 : i32
    %dma_wait3A_28 = tpu.memref_slice %arg11[%dma_wait3A, %dma_wait3A_27] : memref<128x128xf32, #tpu.memory_space<vmem>> -> memref<16x128xf32, #tpu.memory_space<vmem>>
    %dma_wait3A_29 = arith.constant 9984 : i32
    %dma_wait3A_30 = tpu.memref_slice %arg7[%dma_wait3A_29] : memref<10000xi32, #tpu.memory_space<vmem>> -> memref<16xi32, #tpu.memory_space<vmem>>
    %dma_wait3A_31 = arith.constant 0 : i32
    %dma_wait3A_32 = arith.constant 0 : i32
    %dma_wait3A_33 = tpu.memref_slice %arg2[%dma_wait3A_31, %dma_wait3A_32] : memref<10000x128xf32, #tpu.memory_space<hbm>> -> memref<10000x128xf32, #tpu.memory_space<hbm>>
    tpu.wait_indirect_dma semaphore(%arg13 : memref<!tpu.dma_semaphore, #tpu.memory_space<semaphore_mem>>) src(%dma_wait3A_33 : memref<10000x128xf32, #tpu.memory_space<hbm>>) dst(%dma_wait3A_28 : memref<16x128xf32, #tpu.memory_space<vmem>>)
    "tpu.region"() ({
      %run_scoped3A = tpu.sem_alloc : memref<!tpu.dma_semaphore, #tpu.memory_space<semaphore_mem>>
      %dma_start3A_39 = arith.constant 0 : i32
      %dma_start3A_40 = arith.constant 0 : i32
      %dma_start3A_41 = tpu.memref_slice %arg11[%dma_start3A_39, %dma_start3A_40] : memref<128x128xf32, #tpu.memory_space<vmem>> -> memref<16x128xf32, #tpu.memory_space<vmem>>
      %dma_start3A_42 = arith.constant 0 : i32
      %dma_start3A_43 = arith.constant 0 : i32
      %dma_start3A_44 = tpu.memref_slice %arg12[%dma_start3A_42, %dma_start3A_43] : memref<10240x128xf32, #tpu.memory_space<vmem_shared>> -> memref<10240x128xf32, #tpu.memory_space<vmem_shared>>
      tpu.enqueue_indirect_dma source(%dma_start3A_41 : memref<16x128xf32, #tpu.memory_space<vmem>>) target(%dma_start3A_44 : memref<10240x128xf32, #tpu.memory_space<vmem_shared>>) offsets(%arg10 : memref<16xi32, #tpu.memory_space<vmem>>) semaphore(%run_scoped3A : memref<!tpu.dma_semaphore, #tpu.memory_space<semaphore_mem>>) {add = true}
      %dma_wait3A_45 = arith.constant 0 : i32
      %dma_wait3A_46 = arith.constant 0 : i32
      %dma_wait3A_47 = tpu.memref_slice %arg11[%dma_wait3A_45, %dma_wait3A_46] : memref<128x128xf32, #tpu.memory_space<vmem>> -> memref<16x128xf32, #tpu.memory_space<vmem>>
      %dma_wait3A_48 = arith.constant 0 : i32
      %dma_wait3A_49 = arith.constant 0 : i32
      %dma_wait3A_50 = tpu.memref_slice %arg12[%dma_wait3A_48, %dma_wait3A_49] : memref<10240x128xf32, #tpu.memory_space<vmem_shared>> -> memref<10240x128xf32, #tpu.memory_space<vmem_shared>>
      tpu.wait_indirect_dma semaphore(%run_scoped3A : memref<!tpu.dma_semaphore, #tpu.memory_space<semaphore_mem>>) src(%dma_wait3A_47 : memref<16x128xf32, #tpu.memory_space<vmem>>) dst(%dma_wait3A_50 : memref<10240x128xf32, #tpu.memory_space<vmem_shared>>)
      tpu.yield
    }) : () -> ()
    %barrier3A_34 = arith.constant 0 : index
    tpu.barrier barrier_id(%barrier3A_34)
    %mul3A_35 = arith.constant 640 : i32
    %mul3A_36 = arith.muli %arg1, %mul3A_35 : i32
    %mul3A_37 = arith.constant 640 : i32
    %mul3A_38 = arith.muli %arg1, %mul3A_37 : i32
    "tpu.region"() ({
      %run_scoped3A = tpu.sem_alloc : memref<!tpu.dma_semaphore, #tpu.memory_space<semaphore_mem>>
      %dma_start3A_39 = arith.constant 0 : i32
      %dma_start3A_40 = arith.constant 0 : i32
      %dma_start3A_41 = tpu.memref_slice %arg6[%arg0, %dma_start3A_39, %dma_start3A_40] : memref<2x10240x128xf32, #tpu.memory_space<hbm>> -> memref<1x10240x128xf32, #tpu.memory_space<hbm>>
      %dma_start3A_42 = tpu.memref_squeeze %dma_start3A_41 : memref<1x10240x128xf32, #tpu.memory_space<hbm>> -> memref<10240x128xf32, #tpu.memory_space<hbm>>
      %dma_start3A_43 = arith.constant 0 : i32
      %dma_start3A_44 = tpu.memref_slice %dma_start3A_42[%mul3A_38, %dma_start3A_43] : memref<10240x128xf32, #tpu.memory_space<hbm>> -> memref<640x128xf32, #tpu.memory_space<hbm>>
      %dma_start3A_45 = arith.constant 0 : i32
      %dma_start3A_46 = tpu.memref_slice %arg12[%mul3A_36, %dma_start3A_45] : memref<10240x128xf32, #tpu.memory_space<vmem_shared>> -> memref<640x128xf32, #tpu.memory_space<vmem_shared>>
      tpu.enqueue_dma source(%dma_start3A_46 : memref<640x128xf32, #tpu.memory_space<vmem_shared>>) target(%dma_start3A_44 : memref<640x128xf32, #tpu.memory_space<hbm>>) target_semaphore(%run_scoped3A : memref<!tpu.dma_semaphore, #tpu.memory_space<semaphore_mem>>)
      %dma_wait3A_47 = arith.constant 0 : i32
      %dma_wait3A_48 = arith.constant 0 : i32
      %dma_wait3A_49 = tpu.memref_slice %arg6[%arg0, %dma_wait3A_47, %dma_wait3A_48] : memref<2x10240x128xf32, #tpu.memory_space<hbm>> -> memref<1x10240x128xf32, #tpu.memory_space<hbm>>
      %dma_wait3A_50 = tpu.memref_squeeze %dma_wait3A_49 : memref<1x10240x128xf32, #tpu.memory_space<hbm>> -> memref<10240x128xf32, #tpu.memory_space<hbm>>
      %dma_wait3A_51 = arith.constant 0 : i32
      %dma_wait3A_52 = tpu.memref_slice %dma_wait3A_50[%mul3A_38, %dma_wait3A_51] : memref<10240x128xf32, #tpu.memory_space<hbm>> -> memref<640x128xf32, #tpu.memory_space<hbm>>
      %dma_wait3A_53 = arith.constant 0 : i32
      %dma_wait3A_54 = tpu.memref_slice %arg12[%mul3A_36, %dma_wait3A_53] : memref<10240x128xf32, #tpu.memory_space<vmem_shared>> -> memref<640x128xf32, #tpu.memory_space<vmem_shared>>
      tpu.wait_dma2 semaphore(%run_scoped3A : memref<!tpu.dma_semaphore, #tpu.memory_space<semaphore_mem>>) src(%dma_wait3A_54 : memref<640x128xf32, #tpu.memory_space<vmem_shared>>) dst(%dma_wait3A_52 : memref<640x128xf32, #tpu.memory_space<hbm>>)
      tpu.yield
    }) : () -> ()
    return
  }
}

module attributes {stable_mosaic.version = 14 : i64} {
  func.func @body(%arg0: i32, %arg1: i32, %arg2: memref<2x1000x128xf32, #tpu.memory_space<vmem>>, %arg3: memref<2x1000x128xf32, #tpu.memory_space<vmem>>, %arg4: memref<1000x128xf32, #tpu.memory_space<vmem>>, %arg5: memref<128x128xf32, #tpu.memory_space<vmem>>, %arg6: memref<1x128xf32, #tpu.memory_space<vmem>>, %arg7: memref<128x128xf32, #tpu.memory_space<vmem>>, %arg8: memref<1x128xf32, #tpu.memory_space<vmem>>, %arg9: memref<1x128xf32, #tpu.memory_space<vmem>>, %arg10: memref<128x64xf32, #tpu.memory_space<vmem>>, %arg11: memref<1x64xf32, #tpu.memory_space<vmem>>, %arg12: memref<64x10xf32, #tpu.memory_space<vmem>>, %arg13: memref<1x10xf32, #tpu.memory_space<vmem>>, %arg14: memref<1000x128xf32, #tpu.memory_space<vmem>>, %arg15: memref<1000x10xf32, #tpu.memory_space<vmem>>, %arg16: memref<10000x128xf32, #tpu.memory_space<vmem>>, %arg17: memref<2x128xf32, #tpu.memory_space<vmem>>) attributes {dimension_semantics = [#tpu.dimension_semantics<arbitrary>, #tpu.dimension_semantics<arbitrary>], iteration_bounds = array<i64: 2, 10>, scalar_prefetch = 0 : i64, scratch_operands = 2 : i64, tpu.core_type = #tpu.core_type<tc>, window_params = [{transform_indices = @transform_0, window_bounds = array<i64: 2, 1000, 128>}, {transform_indices = @transform_1, window_bounds = array<i64: 2, 1000, 128>}, {transform_indices = @transform_2, window_bounds = array<i64: 1000, 128>}, {pipeline_mode = #tpu.pipeline_mode<synchronous>, transform_indices = @transform_3, window_bounds = array<i64: 128, 128>}, {pipeline_mode = #tpu.pipeline_mode<synchronous>, transform_indices = @transform_4, window_bounds = array<i64: 1, 128>}, {pipeline_mode = #tpu.pipeline_mode<synchronous>, transform_indices = @transform_5, window_bounds = array<i64: 128, 128>}, {pipeline_mode = #tpu.pipeline_mode<synchronous>, transform_indices = @transform_6, window_bounds = array<i64: 1, 128>}, {pipeline_mode = #tpu.pipeline_mode<synchronous>, transform_indices = @transform_7, window_bounds = array<i64: 1, 128>}, {pipeline_mode = #tpu.pipeline_mode<synchronous>, transform_indices = @transform_8, window_bounds = array<i64: 128, 64>}, {pipeline_mode = #tpu.pipeline_mode<synchronous>, transform_indices = @transform_9, window_bounds = array<i64: 1, 64>}, {pipeline_mode = #tpu.pipeline_mode<synchronous>, transform_indices = @transform_10, window_bounds = array<i64: 64, 10>}, {pipeline_mode = #tpu.pipeline_mode<synchronous>, transform_indices = @transform_11, window_bounds = array<i64: 1, 10>}, {transform_indices = @transform_12, window_bounds = array<i64: 1000, 128>}, {transform_indices = @transform_13, window_bounds = array<i64: 1000, 10>}]} {
    %eq3A = arith.constant 0 : i32
    %eq3A_0 = arith.cmpi eq, %arg0, %eq3A : i32
    %convert_element_type3A = arith.extui %eq3A_0 : i1 to i32
    %cond3A = arith.constant 0 : i32
    %cond3A_1 = arith.cmpi ne, %convert_element_type3A, %cond3A : i32
    scf.if %cond3A_1 {
      %get3A = arith.constant 0 : index
      %get3A_7 = arith.constant 0 : index
      %get3A_8 = arith.constant 0 : index
      %get3A_9 = vector.load %arg2[%get3A, %get3A_7, %get3A_8] : memref<2x1000x128xf32, #tpu.memory_space<vmem>>, vector<1x1000x128xf32>
      %get3A_10 = vector.shape_cast %get3A_9 : vector<1x1000x128xf32> to vector<1000x128xf32>
      %get3A_11 = arith.constant 1 : index
      %get3A_12 = arith.constant 0 : index
      %get3A_13 = arith.constant 0 : index
      %get3A_14 = vector.load %arg2[%get3A_11, %get3A_12, %get3A_13] : memref<2x1000x128xf32, #tpu.memory_space<vmem>>, vector<1x1000x128xf32>
      %get3A_15 = vector.shape_cast %get3A_14 : vector<1x1000x128xf32> to vector<1000x128xf32>
      %add3A = arith.addf %get3A_10, %get3A_15 : vector<1000x128xf32>
      %get3A_16 = arith.constant 0 : index
      %get3A_17 = arith.constant 0 : index
      %get3A_18 = arith.constant 0 : index
      %get3A_19 = vector.load %arg3[%get3A_16, %get3A_17, %get3A_18] : memref<2x1000x128xf32, #tpu.memory_space<vmem>>, vector<1x1000x1xf32>
      %get3A_20 = vector.shape_cast %get3A_19 : vector<1x1000x1xf32> to vector<1000x1xf32>
      %get3A_21 = arith.constant 1 : index
      %get3A_22 = arith.constant 0 : index
      %get3A_23 = arith.constant 0 : index
      %get3A_24 = vector.load %arg3[%get3A_21, %get3A_22, %get3A_23] : memref<2x1000x128xf32, #tpu.memory_space<vmem>>, vector<1x1000x1xf32>
      %get3A_25 = vector.shape_cast %get3A_24 : vector<1x1000x1xf32> to vector<1000x1xf32>
      %add3A_26 = arith.addf %get3A_20, %get3A_25 : vector<1000x1xf32>
      %max3A = arith.constant 1.000000e+00 : f32
      %max3A_27 = vector.broadcast %max3A : f32 to vector<1000x1xf32>
      %max3A_28 = arith.maximumf %add3A_26, %max3A_27 : vector<1000x1xf32>
      %div3A = vector.broadcast %max3A_28 : vector<1000x1xf32> to vector<1000x128xf32>
      %div3A_29 = arith.divf %add3A, %div3A : vector<1000x128xf32>
      %get3A_30 = arith.constant 0 : index
      %get3A_31 = arith.constant 0 : index
      %get3A_32 = vector.load %arg5[%get3A_30, %get3A_31] : memref<128x128xf32, #tpu.memory_space<vmem>>, vector<128x128xf32>
      %dot_general3A = arith.constant dense<0.000000e+00> : vector<1000x128xf32>
      %dot_general3A_33 = tpu.matmul %div3A_29, %get3A_32, %dot_general3A {dimension_numbers = #tpu.dot_dimension_numbers<[1], [0], [0], [1], [0, 0, 1, 1], [], []>, transpose_lhs_hint = false} : vector<1000x128xf32>, vector<128x128xf32>, vector<1000x128xf32> -> vector<1000x128xf32>
      %get3A_34 = arith.constant 0 : index
      %get3A_35 = arith.constant 0 : index
      %get3A_36 = vector.load %arg6[%get3A_34, %get3A_35] : memref<1x128xf32, #tpu.memory_space<vmem>>, vector<1x128xf32>
      %add3A_37 = vector.broadcast %get3A_36 : vector<1x128xf32> to vector<1000x128xf32>
      %add3A_38 = arith.addf %dot_general3A_33, %add3A_37 : vector<1000x128xf32>
      %get3A_39 = arith.constant 0 : index
      %get3A_40 = arith.constant 0 : index
      %get3A_41 = vector.load %arg4[%get3A_39, %get3A_40] : memref<1000x128xf32, #tpu.memory_space<vmem>>, vector<1000x128xf32>
      %get3A_42 = arith.constant 0 : index
      %get3A_43 = arith.constant 0 : index
      %get3A_44 = vector.load %arg7[%get3A_42, %get3A_43] : memref<128x128xf32, #tpu.memory_space<vmem>>, vector<128x128xf32>
      %dot_general3A_45 = arith.constant dense<0.000000e+00> : vector<1000x128xf32>
      %dot_general3A_46 = tpu.matmul %get3A_41, %get3A_44, %dot_general3A_45 {dimension_numbers = #tpu.dot_dimension_numbers<[1], [0], [0], [1], [0, 0, 1, 1], [], []>, transpose_lhs_hint = false} : vector<1000x128xf32>, vector<128x128xf32>, vector<1000x128xf32> -> vector<1000x128xf32>
      %add3A_47 = arith.addf %add3A_38, %dot_general3A_46 : vector<1000x128xf32>
      %mul3A = arith.constant 1000 : i32
      %mul3A_48 = arith.muli %arg1, %mul3A : i32
      %swap3A = arith.index_cast %mul3A_48 : i32 to index
      %swap3A_49 = arith.constant 0 : index
      %swap3A_50 = vector.load %arg16[%swap3A, %swap3A_49] : memref<10000x128xf32, #tpu.memory_space<vmem>>, vector<1000x128xf32>
      tpu.vector_store %arg16[%swap3A, %swap3A_49], %add3A_47 {strides = array<i32>} : memref<10000x128xf32, #tpu.memory_space<vmem>>, vector<1000x128xf32>,
      %eq3A_51 = arith.constant 0 : i32
      %eq3A_52 = arith.cmpi eq, %arg1, %eq3A_51 : i32
      %convert_element_type3A_53 = arith.extui %eq3A_52 : i1 to i32
      %cond3A_54 = arith.constant 0 : i32
      %cond3A_55 = arith.cmpi ne, %convert_element_type3A_53, %cond3A_54 : i32
      scf.if %cond3A_55 {
        %broadcast_in_dim3A_75 = arith.constant 0.000000e+00 : f32
        %broadcast_in_dim3A_76 = vector.broadcast %broadcast_in_dim3A_75 : f32 to vector<2x128xf32>
        %swap3A_77 = arith.constant 0 : index
        %swap3A_78 = arith.constant 0 : index
        %swap3A_79 = vector.load %arg17[%swap3A_77, %swap3A_78] : memref<2x128xf32, #tpu.memory_space<vmem>>, vector<2x128xf32>
        tpu.vector_store %arg17[%swap3A_77, %swap3A_78], %broadcast_in_dim3A_76 {strides = array<i32>} : memref<2x128xf32, #tpu.memory_space<vmem>>, vector<2x128xf32>,
      } else {
      }
      %get3A_56 = arith.constant 0 : index
      %get3A_57 = arith.constant 0 : index
      %get3A_58 = vector.load %arg17[%get3A_56, %get3A_57] : memref<2x128xf32, #tpu.memory_space<vmem>>, vector<1x128xf32>
      %reduce_sum3A = arith.constant dense<0.000000e+00> : vector<128xf32>
      %reduce_sum3A_59 = vector.multi_reduction <add>, %add3A_47, %reduce_sum3A [0] : vector<1000x128xf32> to vector<128xf32>
      %broadcast_in_dim3A = vector.shape_cast %reduce_sum3A_59 : vector<128xf32> to vector<1x128xf32>
      %add3A_60 = arith.addf %get3A_58, %broadcast_in_dim3A : vector<1x128xf32>
      %swap3A_61 = arith.constant 0 : index
      %swap3A_62 = arith.constant 0 : index
      %swap3A_63 = vector.load %arg17[%swap3A_61, %swap3A_62] : memref<2x128xf32, #tpu.memory_space<vmem>>, vector<1x128xf32>
      tpu.vector_store %arg17[%swap3A_61, %swap3A_62], %add3A_60 {strides = array<i32>} : memref<2x128xf32, #tpu.memory_space<vmem>>, vector<1x128xf32>,
      %get3A_64 = arith.constant 1 : index
      %get3A_65 = arith.constant 0 : index
      %get3A_66 = vector.load %arg17[%get3A_64, %get3A_65] : memref<2x128xf32, #tpu.memory_space<vmem>>, vector<1x128xf32>
      %mul3A_67 = arith.mulf %add3A_47, %add3A_47 : vector<1000x128xf32>
      %reduce_sum3A_68 = arith.constant dense<0.000000e+00> : vector<128xf32>
      %reduce_sum3A_69 = vector.multi_reduction <add>, %mul3A_67, %reduce_sum3A_68 [0] : vector<1000x128xf32> to vector<128xf32>
      %broadcast_in_dim3A_70 = vector.shape_cast %reduce_sum3A_69 : vector<128xf32> to vector<1x128xf32>
      %add3A_71 = arith.addf %get3A_66, %broadcast_in_dim3A_70 : vector<1x128xf32>
      %swap3A_72 = arith.constant 1 : index
      %swap3A_73 = arith.constant 0 : index
      %swap3A_74 = vector.load %arg17[%swap3A_72, %swap3A_73] : memref<2x128xf32, #tpu.memory_space<vmem>>, vector<1x128xf32>
      tpu.vector_store %arg17[%swap3A_72, %swap3A_73], %add3A_71 {strides = array<i32>} : memref<2x128xf32, #tpu.memory_space<vmem>>, vector<1x128xf32>,
    } else {
    }
    %eq3A_2 = arith.constant 1 : i32
    %eq3A_3 = arith.cmpi eq, %arg0, %eq3A_2 : i32
    %convert_element_type3A_4 = arith.extui %eq3A_3 : i1 to i32
    %cond3A_5 = arith.constant 0 : i32
    %cond3A_6 = arith.cmpi ne, %convert_element_type3A_4, %cond3A_5 : i32
    scf.if %cond3A_6 {
      %get3A = arith.constant 0 : index
      %get3A_7 = arith.constant 0 : index
      %get3A_8 = vector.load %arg17[%get3A, %get3A_7] : memref<2x128xf32, #tpu.memory_space<vmem>>, vector<1x128xf32>
      %mul3A = arith.constant 9.99999974E-5 : f32
      %mul3A_9 = vector.broadcast %mul3A : f32 to vector<1x128xf32>
      %mul3A_10 = arith.mulf %get3A_8, %mul3A_9 : vector<1x128xf32>
      %get3A_11 = arith.constant 1 : index
      %get3A_12 = arith.constant 0 : index
      %get3A_13 = vector.load %arg17[%get3A_11, %get3A_12] : memref<2x128xf32, #tpu.memory_space<vmem>>, vector<1x128xf32>
      %mul3A_14 = arith.constant 9.99999974E-5 : f32
      %mul3A_15 = vector.broadcast %mul3A_14 : f32 to vector<1x128xf32>
      %mul3A_16 = arith.mulf %get3A_13, %mul3A_15 : vector<1x128xf32>
      %mul3A_17 = arith.mulf %mul3A_10, %mul3A_10 : vector<1x128xf32>
      %sub3A = arith.subf %mul3A_16, %mul3A_17 : vector<1x128xf32>
      %add3A = arith.constant 9.99999974E-6 : f32
      %add3A_18 = vector.broadcast %add3A : f32 to vector<1x128xf32>
      %add3A_19 = arith.addf %sub3A, %add3A_18 : vector<1x128xf32>
      %rsqrt3A = math.rsqrt %add3A_19 : vector<1x128xf32>
      %mul3A_20 = arith.constant 1000 : i32
      %mul3A_21 = arith.muli %arg1, %mul3A_20 : i32
      %get3A_22 = arith.index_cast %mul3A_21 : i32 to index
      %get3A_23 = arith.constant 0 : index
      %get3A_24 = vector.load %arg16[%get3A_22, %get3A_23] : memref<10000x128xf32, #tpu.memory_space<vmem>>, vector<1000x128xf32>
      %get3A_25 = arith.constant 0 : index
      %get3A_26 = arith.constant 0 : index
      %get3A_27 = vector.load %arg8[%get3A_25, %get3A_26] : memref<1x128xf32, #tpu.memory_space<vmem>>, vector<1x128xf32>
      %sub3A_28 = vector.broadcast %mul3A_10 : vector<1x128xf32> to vector<1000x128xf32>
      %sub3A_29 = arith.subf %get3A_24, %sub3A_28 : vector<1000x128xf32>
      %mul3A_30 = vector.broadcast %get3A_27 : vector<1x128xf32> to vector<1000x128xf32>
      %mul3A_31 = arith.mulf %mul3A_30, %sub3A_29 : vector<1000x128xf32>
      %mul3A_32 = vector.broadcast %rsqrt3A : vector<1x128xf32> to vector<1000x128xf32>
      %mul3A_33 = arith.mulf %mul3A_31, %mul3A_32 : vector<1000x128xf32>
      %get3A_34 = arith.constant 0 : index
      %get3A_35 = arith.constant 0 : index
      %get3A_36 = vector.load %arg9[%get3A_34, %get3A_35] : memref<1x128xf32, #tpu.memory_space<vmem>>, vector<1x128xf32>
      %add3A_37 = vector.broadcast %get3A_36 : vector<1x128xf32> to vector<1000x128xf32>
      %add3A_38 = arith.addf %mul3A_33, %add3A_37 : vector<1000x128xf32>
      %max3A = arith.constant 0.000000e+00 : f32
      %max3A_39 = vector.broadcast %max3A : f32 to vector<1000x128xf32>
      %max3A_40 = arith.maximumf %add3A_38, %max3A_39 : vector<1000x128xf32>
      %swap3A = arith.constant 0 : index
      %swap3A_41 = arith.constant 0 : index
      %swap3A_42 = vector.load %arg14[%swap3A, %swap3A_41] : memref<1000x128xf32, #tpu.memory_space<vmem>>, vector<1000x128xf32>
      tpu.vector_store %arg14[%swap3A, %swap3A_41], %max3A_40 {strides = array<i32>} : memref<1000x128xf32, #tpu.memory_space<vmem>>, vector<1000x128xf32>,
      %get3A_43 = arith.constant 0 : index
      %get3A_44 = arith.constant 0 : index
      %get3A_45 = vector.load %arg10[%get3A_43, %get3A_44] : memref<128x64xf32, #tpu.memory_space<vmem>>, vector<128x64xf32>
      %dot_general3A = arith.constant dense<0.000000e+00> : vector<1000x64xf32>
      %dot_general3A_46 = tpu.matmul %max3A_40, %get3A_45, %dot_general3A {dimension_numbers = #tpu.dot_dimension_numbers<[1], [0], [0], [1], [0, 0, 1, 1], [], []>, transpose_lhs_hint = false} : vector<1000x128xf32>, vector<128x64xf32>, vector<1000x64xf32> -> vector<1000x64xf32>
      %get3A_47 = arith.constant 0 : index
      %get3A_48 = arith.constant 0 : index
      %get3A_49 = vector.load %arg11[%get3A_47, %get3A_48] : memref<1x64xf32, #tpu.memory_space<vmem>>, vector<1x64xf32>
      %add3A_50 = vector.broadcast %get3A_49 : vector<1x64xf32> to vector<1000x64xf32>
      %add3A_51 = arith.addf %dot_general3A_46, %add3A_50 : vector<1000x64xf32>
      %max3A_52 = arith.constant 0.000000e+00 : f32
      %max3A_53 = vector.broadcast %max3A_52 : f32 to vector<1000x64xf32>
      %max3A_54 = arith.maximumf %add3A_51, %max3A_53 : vector<1000x64xf32>
      %get3A_55 = arith.constant 0 : index
      %get3A_56 = arith.constant 0 : index
      %get3A_57 = vector.load %arg12[%get3A_55, %get3A_56] : memref<64x10xf32, #tpu.memory_space<vmem>>, vector<64x10xf32>
      %dot_general3A_58 = arith.constant dense<0.000000e+00> : vector<1000x10xf32>
      %dot_general3A_59 = tpu.matmul %max3A_54, %get3A_57, %dot_general3A_58 {dimension_numbers = #tpu.dot_dimension_numbers<[1], [0], [0], [1], [0, 0, 1, 1], [], []>, transpose_lhs_hint = false} : vector<1000x64xf32>, vector<64x10xf32>, vector<1000x10xf32> -> vector<1000x10xf32>
      %get3A_60 = arith.constant 0 : index
      %get3A_61 = arith.constant 0 : index
      %get3A_62 = vector.load %arg13[%get3A_60, %get3A_61] : memref<1x10xf32, #tpu.memory_space<vmem>>, vector<1x10xf32>
      %add3A_63 = vector.broadcast %get3A_62 : vector<1x10xf32> to vector<1000x10xf32>
      %add3A_64 = arith.addf %dot_general3A_59, %add3A_63 : vector<1000x10xf32>
      %reduce_max3A = arith.constant dense<0xFF800000> : vector<1000xf32>
      %reduce_max3A_65 = vector.multi_reduction <maximumf>, %add3A_64, %reduce_max3A [1] : vector<1000x10xf32> to vector<1000xf32>
      %broadcast_in_dim3A = vector.shape_cast %reduce_max3A_65 : vector<1000xf32> to vector<1000x1xf32>
      %sub3A_66 = vector.broadcast %broadcast_in_dim3A : vector<1000x1xf32> to vector<1000x10xf32>
      %sub3A_67 = arith.subf %add3A_64, %sub3A_66 : vector<1000x10xf32>
      %exp3A = math.exp %sub3A_67 : vector<1000x10xf32>
      %reduce_sum3A = arith.constant dense<0.000000e+00> : vector<1000xf32>
      %reduce_sum3A_68 = vector.multi_reduction <add>, %exp3A, %reduce_sum3A [1] : vector<1000x10xf32> to vector<1000xf32>
      %broadcast_in_dim3A_69 = vector.shape_cast %reduce_sum3A_68 : vector<1000xf32> to vector<1000x1xf32>
      %div3A = vector.broadcast %broadcast_in_dim3A_69 : vector<1000x1xf32> to vector<1000x10xf32>
      %div3A_70 = arith.divf %exp3A, %div3A : vector<1000x10xf32>
      %swap3A_71 = arith.constant 0 : index
      %swap3A_72 = arith.constant 0 : index
      %swap3A_73 = vector.load %arg15[%swap3A_71, %swap3A_72] : memref<1000x10xf32, #tpu.memory_space<vmem>>, vector<1000x10xf32>
      tpu.vector_store %arg15[%swap3A_71, %swap3A_72], %div3A_70 {strides = array<i32>} : memref<1000x10xf32, #tpu.memory_space<vmem>>, vector<1000x10xf32>,
    } else {
    }
    return
  }
  func.func @transform_0(%arg0: i32, %arg1: i32) -> (i32, i32, i32) {
    %sub3A = arith.constant 1 : i32
    %sub3A_0 = arith.subi %sub3A, %arg0 : i32
    %mul3A = arith.muli %arg1, %sub3A_0 : i32
    %c0_i32 = arith.constant 0 : i32
    %c0_i32_1 = arith.constant 0 : i32
    %c0_i32_2 = arith.constant 0 : i32
    return %c0_i32, %mul3A, %c0_i32_1 : i32, i32, i32
  }
  func.func @transform_1(%arg0: i32, %arg1: i32) -> (i32, i32, i32) {
    %sub3A = arith.constant 1 : i32
    %sub3A_0 = arith.subi %sub3A, %arg0 : i32
    %mul3A = arith.muli %arg1, %sub3A_0 : i32
    %c0_i32 = arith.constant 0 : i32
    %c0_i32_1 = arith.constant 0 : i32
    %c0_i32_2 = arith.constant 0 : i32
    return %c0_i32, %mul3A, %c0_i32_1 : i32, i32, i32
  }
  func.func @transform_2(%arg0: i32, %arg1: i32) -> (i32, i32) {
    %sub3A = arith.constant 1 : i32
    %sub3A_0 = arith.subi %sub3A, %arg0 : i32
    %mul3A = arith.muli %arg1, %sub3A_0 : i32
    %c0_i32 = arith.constant 0 : i32
    %c0_i32_1 = arith.constant 0 : i32
    return %mul3A, %c0_i32 : i32, i32
  }
  func.func @transform_3(%arg0: i32, %arg1: i32) -> (i32, i32) {
    %c0_i32 = arith.constant 0 : i32
    %c0_i32_0 = arith.constant 0 : i32
    %c0_i32_1 = arith.constant 0 : i32
    return %c0_i32, %c0_i32_0 : i32, i32
  }
  func.func @transform_4(%arg0: i32, %arg1: i32) -> (i32, i32) {
    %c0_i32 = arith.constant 0 : i32
    %c0_i32_0 = arith.constant 0 : i32
    %c0_i32_1 = arith.constant 0 : i32
    return %c0_i32, %c0_i32_0 : i32, i32
  }
  func.func @transform_5(%arg0: i32, %arg1: i32) -> (i32, i32) {
    %c0_i32 = arith.constant 0 : i32
    %c0_i32_0 = arith.constant 0 : i32
    %c0_i32_1 = arith.constant 0 : i32
    return %c0_i32, %c0_i32_0 : i32, i32
  }
  func.func @transform_6(%arg0: i32, %arg1: i32) -> (i32, i32) {
    %c0_i32 = arith.constant 0 : i32
    %c0_i32_0 = arith.constant 0 : i32
    %c0_i32_1 = arith.constant 0 : i32
    return %c0_i32, %c0_i32_0 : i32, i32
  }
  func.func @transform_7(%arg0: i32, %arg1: i32) -> (i32, i32) {
    %c0_i32 = arith.constant 0 : i32
    %c0_i32_0 = arith.constant 0 : i32
    %c0_i32_1 = arith.constant 0 : i32
    return %c0_i32, %c0_i32_0 : i32, i32
  }
  func.func @transform_8(%arg0: i32, %arg1: i32) -> (i32, i32) {
    %c0_i32 = arith.constant 0 : i32
    %c0_i32_0 = arith.constant 0 : i32
    %c0_i32_1 = arith.constant 0 : i32
    return %c0_i32, %c0_i32_0 : i32, i32
  }
  func.func @transform_9(%arg0: i32, %arg1: i32) -> (i32, i32) {
    %c0_i32 = arith.constant 0 : i32
    %c0_i32_0 = arith.constant 0 : i32
    %c0_i32_1 = arith.constant 0 : i32
    return %c0_i32, %c0_i32_0 : i32, i32
  }
  func.func @transform_10(%arg0: i32, %arg1: i32) -> (i32, i32) {
    %c0_i32 = arith.constant 0 : i32
    %c0_i32_0 = arith.constant 0 : i32
    %c0_i32_1 = arith.constant 0 : i32
    return %c0_i32, %c0_i32_0 : i32, i32
  }
  func.func @transform_11(%arg0: i32, %arg1: i32) -> (i32, i32) {
    %c0_i32 = arith.constant 0 : i32
    %c0_i32_0 = arith.constant 0 : i32
    %c0_i32_1 = arith.constant 0 : i32
    return %c0_i32, %c0_i32_0 : i32, i32
  }
  func.func @transform_12(%arg0: i32, %arg1: i32) -> (i32, i32) {
    %mul3A = arith.muli %arg1, %arg0 : i32
    %c0_i32 = arith.constant 0 : i32
    %c0_i32_0 = arith.constant 0 : i32
    return %mul3A, %c0_i32 : i32, i32
  }
  func.func @transform_13(%arg0: i32, %arg1: i32) -> (i32, i32) {
    %mul3A = arith.muli %arg1, %arg0 : i32
    %c0_i32 = arith.constant 0 : i32
    %c0_i32_0 = arith.constant 0 : i32
    return %mul3A, %c0_i32 : i32, i32
  }
}

module attributes {stable_mosaic.version = 14 : i64} {
  func.func @body(%arg0: i32, %arg1: i32, %arg2: memref<2x1000x128xf32, #tpu.memory_space<vmem>>, %arg3: memref<2x1000x128xf32, #tpu.memory_space<vmem>>, %arg4: memref<1000x128xf32, #tpu.memory_space<vmem>>, %arg5: memref<128x128xf32, #tpu.memory_space<vmem>>, %arg6: memref<1x128xf32, #tpu.memory_space<vmem>>, %arg7: memref<128x128xf32, #tpu.memory_space<vmem>>, %arg8: memref<1x128xf32, #tpu.memory_space<vmem>>, %arg9: memref<1x128xf32, #tpu.memory_space<vmem>>, %arg10: memref<1000x128xf32, #tpu.memory_space<vmem>>, %arg11: memref<10000x128xf32, #tpu.memory_space<vmem>>, %arg12: memref<2x128xf32, #tpu.memory_space<vmem>>) attributes {dimension_semantics = [#tpu.dimension_semantics<arbitrary>, #tpu.dimension_semantics<arbitrary>], iteration_bounds = array<i64: 2, 10>, scalar_prefetch = 0 : i64, scratch_operands = 2 : i64, tpu.core_type = #tpu.core_type<tc>, window_params = [{transform_indices = @transform_0, window_bounds = array<i64: 2, 1000, 128>}, {transform_indices = @transform_1, window_bounds = array<i64: 2, 1000, 128>}, {transform_indices = @transform_2, window_bounds = array<i64: 1000, 128>}, {pipeline_mode = #tpu.pipeline_mode<synchronous>, transform_indices = @transform_3, window_bounds = array<i64: 128, 128>}, {pipeline_mode = #tpu.pipeline_mode<synchronous>, transform_indices = @transform_4, window_bounds = array<i64: 1, 128>}, {pipeline_mode = #tpu.pipeline_mode<synchronous>, transform_indices = @transform_5, window_bounds = array<i64: 128, 128>}, {pipeline_mode = #tpu.pipeline_mode<synchronous>, transform_indices = @transform_6, window_bounds = array<i64: 1, 128>}, {pipeline_mode = #tpu.pipeline_mode<synchronous>, transform_indices = @transform_7, window_bounds = array<i64: 1, 128>}, {transform_indices = @transform_8, window_bounds = array<i64: 1000, 128>}]} {
    %eq3A = arith.constant 0 : i32
    %eq3A_0 = arith.cmpi eq, %arg0, %eq3A : i32
    %convert_element_type3A = arith.extui %eq3A_0 : i1 to i32
    %cond3A = arith.constant 0 : i32
    %cond3A_1 = arith.cmpi ne, %convert_element_type3A, %cond3A : i32
    scf.if %cond3A_1 {
      %get3A = arith.constant 0 : index
      %get3A_7 = arith.constant 0 : index
      %get3A_8 = arith.constant 0 : index
      %get3A_9 = vector.load %arg2[%get3A, %get3A_7, %get3A_8] : memref<2x1000x128xf32, #tpu.memory_space<vmem>>, vector<1x1000x128xf32>
      %get3A_10 = vector.shape_cast %get3A_9 : vector<1x1000x128xf32> to vector<1000x128xf32>
      %get3A_11 = arith.constant 1 : index
      %get3A_12 = arith.constant 0 : index
      %get3A_13 = arith.constant 0 : index
      %get3A_14 = vector.load %arg2[%get3A_11, %get3A_12, %get3A_13] : memref<2x1000x128xf32, #tpu.memory_space<vmem>>, vector<1x1000x128xf32>
      %get3A_15 = vector.shape_cast %get3A_14 : vector<1x1000x128xf32> to vector<1000x128xf32>
      %add3A = arith.addf %get3A_10, %get3A_15 : vector<1000x128xf32>
      %get3A_16 = arith.constant 0 : index
      %get3A_17 = arith.constant 0 : index
      %get3A_18 = arith.constant 0 : index
      %get3A_19 = vector.load %arg3[%get3A_16, %get3A_17, %get3A_18] : memref<2x1000x128xf32, #tpu.memory_space<vmem>>, vector<1x1000x1xf32>
      %get3A_20 = vector.shape_cast %get3A_19 : vector<1x1000x1xf32> to vector<1000x1xf32>
      %get3A_21 = arith.constant 1 : index
      %get3A_22 = arith.constant 0 : index
      %get3A_23 = arith.constant 0 : index
      %get3A_24 = vector.load %arg3[%get3A_21, %get3A_22, %get3A_23] : memref<2x1000x128xf32, #tpu.memory_space<vmem>>, vector<1x1000x1xf32>
      %get3A_25 = vector.shape_cast %get3A_24 : vector<1x1000x1xf32> to vector<1000x1xf32>
      %add3A_26 = arith.addf %get3A_20, %get3A_25 : vector<1000x1xf32>
      %max3A = arith.constant 1.000000e+00 : f32
      %max3A_27 = vector.broadcast %max3A : f32 to vector<1000x1xf32>
      %max3A_28 = arith.maximumf %add3A_26, %max3A_27 : vector<1000x1xf32>
      %div3A = vector.broadcast %max3A_28 : vector<1000x1xf32> to vector<1000x128xf32>
      %div3A_29 = arith.divf %add3A, %div3A : vector<1000x128xf32>
      %get3A_30 = arith.constant 0 : index
      %get3A_31 = arith.constant 0 : index
      %get3A_32 = vector.load %arg5[%get3A_30, %get3A_31] : memref<128x128xf32, #tpu.memory_space<vmem>>, vector<128x128xf32>
      %dot_general3A = arith.constant dense<0.000000e+00> : vector<1000x128xf32>
      %dot_general3A_33 = tpu.matmul %div3A_29, %get3A_32, %dot_general3A {dimension_numbers = #tpu.dot_dimension_numbers<[1], [0], [0], [1], [0, 0, 1, 1], [], []>, transpose_lhs_hint = false} : vector<1000x128xf32>, vector<128x128xf32>, vector<1000x128xf32> -> vector<1000x128xf32>
      %get3A_34 = arith.constant 0 : index
      %get3A_35 = arith.constant 0 : index
      %get3A_36 = vector.load %arg6[%get3A_34, %get3A_35] : memref<1x128xf32, #tpu.memory_space<vmem>>, vector<1x128xf32>
      %add3A_37 = vector.broadcast %get3A_36 : vector<1x128xf32> to vector<1000x128xf32>
      %add3A_38 = arith.addf %dot_general3A_33, %add3A_37 : vector<1000x128xf32>
      %get3A_39 = arith.constant 0 : index
      %get3A_40 = arith.constant 0 : index
      %get3A_41 = vector.load %arg4[%get3A_39, %get3A_40] : memref<1000x128xf32, #tpu.memory_space<vmem>>, vector<1000x128xf32>
      %get3A_42 = arith.constant 0 : index
      %get3A_43 = arith.constant 0 : index
      %get3A_44 = vector.load %arg7[%get3A_42, %get3A_43] : memref<128x128xf32, #tpu.memory_space<vmem>>, vector<128x128xf32>
      %dot_general3A_45 = arith.constant dense<0.000000e+00> : vector<1000x128xf32>
      %dot_general3A_46 = tpu.matmul %get3A_41, %get3A_44, %dot_general3A_45 {dimension_numbers = #tpu.dot_dimension_numbers<[1], [0], [0], [1], [0, 0, 1, 1], [], []>, transpose_lhs_hint = false} : vector<1000x128xf32>, vector<128x128xf32>, vector<1000x128xf32> -> vector<1000x128xf32>
      %add3A_47 = arith.addf %add3A_38, %dot_general3A_46 : vector<1000x128xf32>
      %mul3A = arith.constant 1000 : i32
      %mul3A_48 = arith.muli %arg1, %mul3A : i32
      %swap3A = arith.index_cast %mul3A_48 : i32 to index
      %swap3A_49 = arith.constant 0 : index
      %swap3A_50 = vector.load %arg11[%swap3A, %swap3A_49] : memref<10000x128xf32, #tpu.memory_space<vmem>>, vector<1000x128xf32>
      tpu.vector_store %arg11[%swap3A, %swap3A_49], %add3A_47 {strides = array<i32>} : memref<10000x128xf32, #tpu.memory_space<vmem>>, vector<1000x128xf32>,
      %eq3A_51 = arith.constant 0 : i32
      %eq3A_52 = arith.cmpi eq, %arg1, %eq3A_51 : i32
      %convert_element_type3A_53 = arith.extui %eq3A_52 : i1 to i32
      %cond3A_54 = arith.constant 0 : i32
      %cond3A_55 = arith.cmpi ne, %convert_element_type3A_53, %cond3A_54 : i32
      scf.if %cond3A_55 {
        %broadcast_in_dim3A_75 = arith.constant 0.000000e+00 : f32
        %broadcast_in_dim3A_76 = vector.broadcast %broadcast_in_dim3A_75 : f32 to vector<2x128xf32>
        %swap3A_77 = arith.constant 0 : index
        %swap3A_78 = arith.constant 0 : index
        %swap3A_79 = vector.load %arg12[%swap3A_77, %swap3A_78] : memref<2x128xf32, #tpu.memory_space<vmem>>, vector<2x128xf32>
        tpu.vector_store %arg12[%swap3A_77, %swap3A_78], %broadcast_in_dim3A_76 {strides = array<i32>} : memref<2x128xf32, #tpu.memory_space<vmem>>, vector<2x128xf32>,
      } else {
      }
      %get3A_56 = arith.constant 0 : index
      %get3A_57 = arith.constant 0 : index
      %get3A_58 = vector.load %arg12[%get3A_56, %get3A_57] : memref<2x128xf32, #tpu.memory_space<vmem>>, vector<1x128xf32>
      %reduce_sum3A = arith.constant dense<0.000000e+00> : vector<128xf32>
      %reduce_sum3A_59 = vector.multi_reduction <add>, %add3A_47, %reduce_sum3A [0] : vector<1000x128xf32> to vector<128xf32>
      %broadcast_in_dim3A = vector.shape_cast %reduce_sum3A_59 : vector<128xf32> to vector<1x128xf32>
      %add3A_60 = arith.addf %get3A_58, %broadcast_in_dim3A : vector<1x128xf32>
      %swap3A_61 = arith.constant 0 : index
      %swap3A_62 = arith.constant 0 : index
      %swap3A_63 = vector.load %arg12[%swap3A_61, %swap3A_62] : memref<2x128xf32, #tpu.memory_space<vmem>>, vector<1x128xf32>
      tpu.vector_store %arg12[%swap3A_61, %swap3A_62], %add3A_60 {strides = array<i32>} : memref<2x128xf32, #tpu.memory_space<vmem>>, vector<1x128xf32>,
      %get3A_64 = arith.constant 1 : index
      %get3A_65 = arith.constant 0 : index
      %get3A_66 = vector.load %arg12[%get3A_64, %get3A_65] : memref<2x128xf32, #tpu.memory_space<vmem>>, vector<1x128xf32>
      %mul3A_67 = arith.mulf %add3A_47, %add3A_47 : vector<1000x128xf32>
      %reduce_sum3A_68 = arith.constant dense<0.000000e+00> : vector<128xf32>
      %reduce_sum3A_69 = vector.multi_reduction <add>, %mul3A_67, %reduce_sum3A_68 [0] : vector<1000x128xf32> to vector<128xf32>
      %broadcast_in_dim3A_70 = vector.shape_cast %reduce_sum3A_69 : vector<128xf32> to vector<1x128xf32>
      %add3A_71 = arith.addf %get3A_66, %broadcast_in_dim3A_70 : vector<1x128xf32>
      %swap3A_72 = arith.constant 1 : index
      %swap3A_73 = arith.constant 0 : index
      %swap3A_74 = vector.load %arg12[%swap3A_72, %swap3A_73] : memref<2x128xf32, #tpu.memory_space<vmem>>, vector<1x128xf32>
      tpu.vector_store %arg12[%swap3A_72, %swap3A_73], %add3A_71 {strides = array<i32>} : memref<2x128xf32, #tpu.memory_space<vmem>>, vector<1x128xf32>,
    } else {
    }
    %eq3A_2 = arith.constant 1 : i32
    %eq3A_3 = arith.cmpi eq, %arg0, %eq3A_2 : i32
    %convert_element_type3A_4 = arith.extui %eq3A_3 : i1 to i32
    %cond3A_5 = arith.constant 0 : i32
    %cond3A_6 = arith.cmpi ne, %convert_element_type3A_4, %cond3A_5 : i32
    scf.if %cond3A_6 {
      %get3A = arith.constant 0 : index
      %get3A_7 = arith.constant 0 : index
      %get3A_8 = vector.load %arg12[%get3A, %get3A_7] : memref<2x128xf32, #tpu.memory_space<vmem>>, vector<1x128xf32>
      %mul3A = arith.constant 9.99999974E-5 : f32
      %mul3A_9 = vector.broadcast %mul3A : f32 to vector<1x128xf32>
      %mul3A_10 = arith.mulf %get3A_8, %mul3A_9 : vector<1x128xf32>
      %get3A_11 = arith.constant 1 : index
      %get3A_12 = arith.constant 0 : index
      %get3A_13 = vector.load %arg12[%get3A_11, %get3A_12] : memref<2x128xf32, #tpu.memory_space<vmem>>, vector<1x128xf32>
      %mul3A_14 = arith.constant 9.99999974E-5 : f32
      %mul3A_15 = vector.broadcast %mul3A_14 : f32 to vector<1x128xf32>
      %mul3A_16 = arith.mulf %get3A_13, %mul3A_15 : vector<1x128xf32>
      %mul3A_17 = arith.mulf %mul3A_10, %mul3A_10 : vector<1x128xf32>
      %sub3A = arith.subf %mul3A_16, %mul3A_17 : vector<1x128xf32>
      %add3A = arith.constant 9.99999974E-6 : f32
      %add3A_18 = vector.broadcast %add3A : f32 to vector<1x128xf32>
      %add3A_19 = arith.addf %sub3A, %add3A_18 : vector<1x128xf32>
      %rsqrt3A = math.rsqrt %add3A_19 : vector<1x128xf32>
      %mul3A_20 = arith.constant 1000 : i32
      %mul3A_21 = arith.muli %arg1, %mul3A_20 : i32
      %get3A_22 = arith.index_cast %mul3A_21 : i32 to index
      %get3A_23 = arith.constant 0 : index
      %get3A_24 = vector.load %arg11[%get3A_22, %get3A_23] : memref<10000x128xf32, #tpu.memory_space<vmem>>, vector<1000x128xf32>
      %get3A_25 = arith.constant 0 : index
      %get3A_26 = arith.constant 0 : index
      %get3A_27 = vector.load %arg8[%get3A_25, %get3A_26] : memref<1x128xf32, #tpu.memory_space<vmem>>, vector<1x128xf32>
      %sub3A_28 = vector.broadcast %mul3A_10 : vector<1x128xf32> to vector<1000x128xf32>
      %sub3A_29 = arith.subf %get3A_24, %sub3A_28 : vector<1000x128xf32>
      %mul3A_30 = vector.broadcast %get3A_27 : vector<1x128xf32> to vector<1000x128xf32>
      %mul3A_31 = arith.mulf %mul3A_30, %sub3A_29 : vector<1000x128xf32>
      %mul3A_32 = vector.broadcast %rsqrt3A : vector<1x128xf32> to vector<1000x128xf32>
      %mul3A_33 = arith.mulf %mul3A_31, %mul3A_32 : vector<1000x128xf32>
      %get3A_34 = arith.constant 0 : index
      %get3A_35 = arith.constant 0 : index
      %get3A_36 = vector.load %arg9[%get3A_34, %get3A_35] : memref<1x128xf32, #tpu.memory_space<vmem>>, vector<1x128xf32>
      %add3A_37 = vector.broadcast %get3A_36 : vector<1x128xf32> to vector<1000x128xf32>
      %add3A_38 = arith.addf %mul3A_33, %add3A_37 : vector<1000x128xf32>
      %max3A = arith.constant 0.000000e+00 : f32
      %max3A_39 = vector.broadcast %max3A : f32 to vector<1000x128xf32>
      %max3A_40 = arith.maximumf %add3A_38, %max3A_39 : vector<1000x128xf32>
      %swap3A = arith.constant 0 : index
      %swap3A_41 = arith.constant 0 : index
      %swap3A_42 = vector.load %arg10[%swap3A, %swap3A_41] : memref<1000x128xf32, #tpu.memory_space<vmem>>, vector<1000x128xf32>
      tpu.vector_store %arg10[%swap3A, %swap3A_41], %max3A_40 {strides = array<i32>} : memref<1000x128xf32, #tpu.memory_space<vmem>>, vector<1000x128xf32>,
    } else {
    }
    return
  }
  func.func @transform_0(%arg0: i32, %arg1: i32) -> (i32, i32, i32) {
    %sub3A = arith.constant 1 : i32
    %sub3A_0 = arith.subi %sub3A, %arg0 : i32
    %mul3A = arith.muli %arg1, %sub3A_0 : i32
    %c0_i32 = arith.constant 0 : i32
    %c0_i32_1 = arith.constant 0 : i32
    %c0_i32_2 = arith.constant 0 : i32
    return %c0_i32, %mul3A, %c0_i32_1 : i32, i32, i32
  }
  func.func @transform_1(%arg0: i32, %arg1: i32) -> (i32, i32, i32) {
    %sub3A = arith.constant 1 : i32
    %sub3A_0 = arith.subi %sub3A, %arg0 : i32
    %mul3A = arith.muli %arg1, %sub3A_0 : i32
    %c0_i32 = arith.constant 0 : i32
    %c0_i32_1 = arith.constant 0 : i32
    %c0_i32_2 = arith.constant 0 : i32
    return %c0_i32, %mul3A, %c0_i32_1 : i32, i32, i32
  }
  func.func @transform_2(%arg0: i32, %arg1: i32) -> (i32, i32) {
    %sub3A = arith.constant 1 : i32
    %sub3A_0 = arith.subi %sub3A, %arg0 : i32
    %mul3A = arith.muli %arg1, %sub3A_0 : i32
    %c0_i32 = arith.constant 0 : i32
    %c0_i32_1 = arith.constant 0 : i32
    return %mul3A, %c0_i32 : i32, i32
  }
  func.func @transform_3(%arg0: i32, %arg1: i32) -> (i32, i32) {
    %c0_i32 = arith.constant 0 : i32
    %c0_i32_0 = arith.constant 0 : i32
    %c0_i32_1 = arith.constant 0 : i32
    return %c0_i32, %c0_i32_0 : i32, i32
  }
  func.func @transform_4(%arg0: i32, %arg1: i32) -> (i32, i32) {
    %c0_i32 = arith.constant 0 : i32
    %c0_i32_0 = arith.constant 0 : i32
    %c0_i32_1 = arith.constant 0 : i32
    return %c0_i32, %c0_i32_0 : i32, i32
  }
  func.func @transform_5(%arg0: i32, %arg1: i32) -> (i32, i32) {
    %c0_i32 = arith.constant 0 : i32
    %c0_i32_0 = arith.constant 0 : i32
    %c0_i32_1 = arith.constant 0 : i32
    return %c0_i32, %c0_i32_0 : i32, i32
  }
  func.func @transform_6(%arg0: i32, %arg1: i32) -> (i32, i32) {
    %c0_i32 = arith.constant 0 : i32
    %c0_i32_0 = arith.constant 0 : i32
    %c0_i32_1 = arith.constant 0 : i32
    return %c0_i32, %c0_i32_0 : i32, i32
  }
  func.func @transform_7(%arg0: i32, %arg1: i32) -> (i32, i32) {
    %c0_i32 = arith.constant 0 : i32
    %c0_i32_0 = arith.constant 0 : i32
    %c0_i32_1 = arith.constant 0 : i32
    return %c0_i32, %c0_i32_0 : i32, i32
  }
  func.func @transform_8(%arg0: i32, %arg1: i32) -> (i32, i32) {
    %mul3A = arith.muli %arg1, %arg0 : i32
    %c0_i32 = arith.constant 0 : i32
    %c0_i32_0 = arith.constant 0 : i32
    return %mul3A, %c0_i32 : i32, i32
  }
}

</mosaic_0001>

<sc_bundles>
// kernel: kernel.11.cloned.1.call-start
scs
__scs_entry_jumppad:
0x0: {  	(pc) =	sbr.rel $0x88, $3  }
0x1: {  	(tag) =	ssettag $0x0;
	lr =	simm.s32 $0x1  }
0x2: {  	[smem:$0x3F8C] =	sst lr;
	_ =	strace $0xD0000000  }
0x3: {  	_ = 	snop  }
0x4: {  	_ = 	snop  }
0x5: {  	_ = 	snop  }
0x6: {  	_ = 	snop  }
0x7: {  	_ = 	snop  }
__scs_overlays_trampoline_lowered:
0x8: {  	[smem:$0x3F9B] =	sst s0  }
0x9: {  	[smem:$0x3F9C] =	sst s1  }
0xa: {  	[smem:$0x3F9D] =	sst s2  }
0xb: {  	[smem:$0x3F9E] =	sst s3  }
0xc: {  	[smem:$0x3F9F] =	sst s4  }
0xd: {  	[smem:$0x3FA0] =	sst s5  }
0xe: {  	[smem:$0x3FA1] =	sst s6  }
0xf: {  	[smem:$0x3FA2] =	sst s7  }
0x10: {  	[smem:$0x3FA3] =	sst s8  }
0x11: {  	[smem:$0x3FA4] =	sst s9;
	s0 =	simm.s32 @!p0 $0x0  }
0x12: {  	s1 =	sld [smem:$0x3F8A];
	s0 =	simm.s32 @p0 $0x1  }
0x13: {  	[smem:$0x3FA5] =	sst s0;
	s0 =	simm.s32 @!p1 $0x0  }
0x14: {  	s2 =	sld [smem:$0x3F89];
	s0 =	simm.s32 @p1 $0x1  }
0x15: {  	[smem:$0x3FA6] =	sst s0;
	s0 =	simm.s32 @!p2 $0x0  }
0x16: {  	s3 =	sld [smem:$0x3FDB];
	s0 =	simm.s32 @p2 $0x1  }
0x17: {  	s4 =	simm.s32 $0x1BF5;
	[smem:$0x3FA8] =	sst s0  }
0x18: {  	s0 =	sld [smem:$0x3F8B];
	_ =	swait.ge [sflag:s4], $0x0  }
0x19: {  	s7 =	sld [smem:$0x3F8C]  }
0x1a: {  	s8 =	sadd.s32 $0xFFFFE003, lr  }
0x1b: {  	s9 =	sadd.s32 $0xFFFFFEF7, lr;
	s5 =	simm.s32 $0xFFFFFFFF;
	p2 =	slt.u32 s8, $0xFFFFF086  }
0x1c: {  	p1 =	slt.u32 s9, $0xF7A;
	s5 =	simm.s32 @!p2 $0x0  }
0x1d: {  	s5 =	simm.s32 @p1 $0x1;
	p0 =	seq.s32 s7, s2  }
0x1e: {  	s7 =	smul.u32 @!p0 $0xF7A, s2;
	p2 =	seq.s32 @!p0 s5, $0x0  }
0x1f: {  	s9 =	smul.u32 $0xF7A, s1;
	s8 =	simm.s32 @!p0 $0x1BF5;
	p2 =	por !p2, p0  }
0x20: {  	[sflag:s8] =	ssyncset.s32 @!p0 $0xFFFFF086;
	s6 =	sadd.s32 @!p0 s3, s7;
	s7 =	simm.s32 @!p0 $0x108  }
0x21: {  	s3 =	sadd.s32 s3, s9;
	s6 =	sadd.s32 @!p0 $0x88, s6;
	s7 =	simm.s32 @p2 $0x1082  }
0x22: {  	[simem:s7], [sflag:s8] =	dma.local @!p0 [hbm:s6], $0xF7A  }
0x23: {  	s9 =	sor.u32 $0xD0000000, s2;
	s6 =	simm.s32 $0x108;
	_ =	swait.ge @!p0 [sflag:s8], $0x0  }
0x24: {  	s3 =	sadd.s32 $0x88, s3;
	s6 =	simm.s32 @!p1 $0x1082;
	[sflag:s4] =	ssyncset.s32 $0xFFFFF086  }
0x25: {  	[simem:s6], [sflag:s4] =	dma.local [hbm:s3], $0xF7A  }
0x26: {  	[smem:$0x3F8C] =	sst s1;
	(tag) =	ssettag s2;
	_ =	strace s9  }
0x27: {  	s1 =	sld [smem:$0x3F9C]  }
0x28: {  	s2 =	sld [smem:$0x3F9D]  }
0x29: {  	s4 =	sld [smem:$0x3F9F]  }
0x2a: {  	p0 =	seq.s32 s5, $0x0;
	s5 =	sld [smem:$0x3FA0]  }
0x2b: {  	s6 =	sld [smem:$0x3FA1]  }
0x2c: {  	s7 =	sld [smem:$0x3FA2]  }
0x2d: {  	s3 =	simm.s32 $0x108;
	s8 =	sld [smem:$0x3FA3]  }
0x2e: {  	s3 =	simm.s32 @!p0 $0x1082;
	s9 =	sld [smem:$0x3FA4]  }
0x2f: {  	lr =	sadd.s32 s0, s3;
	s0 =	sld [smem:$0x3F9B]  }
0x30: {  	s3 =	sld [smem:$0x3F9E]  }
0x31: {  	[smem:$0x3FA7] =	sst s10  }
0x32: {  	s10 =	sld [smem:$0x3FA5];
	_ =	sdelay $0x3  }
0x33: {  	p0 =	seq.s32 s10, $0x1;
	s10 =	sld [smem:$0x3FA7];
	_ =	sdelay $0x3  }
0x34: {  	[smem:$0x3FA7] =	sst s10  }
0x35: {  	s10 =	sld [smem:$0x3FA6];
	_ =	sdelay $0x3  }
0x36: {  	p1 =	seq.s32 s10, $0x1;
	s10 =	sld [smem:$0x3FA7];
	_ =	sdelay $0x3  }
0x37: {  	[smem:$0x3FA7] =	sst s10  }
0x38: {  	s10 =	sld [smem:$0x3FA8]  }
0x39: {  	_ = 	snop;
	(pc) =	sbr.ind lr, $3  }
0x3a: {  	_ = 	snop  }
0x3b: {  	_ = 	snop  }
0x3c: {  	p2 =	seq.s32 s10, $0x1;
	s10 =	sld [smem:$0x3FA7]  }
0x3d: {  	_ =	shalt  }
0x3e: {  	_ =	shalt  }
0x3f: {  	_ =	shalt  }
0x40: {  	_ =	shalt  }
0x41: {  	_ =	shalt  }
0x42: {  	_ =	shalt  }
0x43: {  	_ =	shalt  }
0x44: {  	_ =	shalt  }
0x45: {  	_ =	shalt  }
0x46: {  	_ =	shalt  }
0x47: {  	_ =	shalt  }
0x48: {  	_ =	shalt  }
0x49: {  	_ =	shalt  }
0x4a: {  	_ =	shalt  }
0x4b: {  	_ =	shalt  }
0x4c: {  	_ =	shalt  }
0x4d: {  	_ =	shalt  }
0x4e: {  	_ =	shalt  }
0x4f: {  	_ =	shalt  }
0x50: {  	_ =	shalt  }
0x51: {  	_ =	shalt  }
0x52: {  	_ =	shalt  }
0x53: {  	_ =	shalt  }
0x54: {  	_ =	shalt  }
0x55: {  	_ =	shalt  }
0x56: {  	_ =	shalt  }
0x57: {  	_ =	shalt  }
0x58: {  	_ =	shalt  }
0x59: {  	_ =	shalt  }
0x5a: {  	_ =	shalt  }
0x5b: {  	_ =	shalt  }
0x5c: {  	_ =	shalt  }
0x5d: {  	_ =	shalt  }
0x5e: {  	_ =	shalt  }
0x5f: {  	_ =	shalt  }
0x60: {  	_ =	shalt  }
0x61: {  	_ =	shalt  }
0x62: {  	_ =	shalt  }
0x63: {  	_ =	shalt  }
0x64: {  	_ =	shalt  }
0x65: {  	_ =	shalt  }
0x66: {  	_ =	shalt  }
0x67: {  	_ =	shalt  }
0x68: {  	_ =	shalt  }
0x69: {  	_ =	shalt  }
0x6a: {  	_ =	shalt  }
0x6b: {  	_ =	shalt  }
0x6c: {  	_ =	shalt  }
0x6d: {  	_ =	shalt  }
0x6e: {  	_ =	shalt  }
0x6f: {  	_ =	shalt  }
0x70: {  	_ =	shalt  }
0x71: {  	_ =	shalt  }
0x72: {  	_ =	shalt  }
0x73: {  	_ =	shalt  }
0x74: {  	_ =	shalt  }
0x75: {  	_ =	shalt  }
0x76: {  	_ =	shalt  }
0x77: {  	_ =	shalt  }
0x78: {  	_ =	shalt  }
0x79: {  	_ =	shalt  }
0x7a: {  	_ =	shalt  }
0x7b: {  	_ =	shalt  }
0x7c: {  	_ =	shalt  }
0x7d: {  	_ =	shalt  }
0x7e: {  	_ =	shalt  }
0x7f: {  	_ =	shalt  }
0x80: {  	_ =	shalt  }
0x81: {  	_ =	shalt  }
0x82: {  	_ =	shalt  }
0x83: {  	_ =	shalt  }
0x84: {  	_ =	shalt  }
0x85: {  	_ =	shalt  }
0x86: {  	_ =	shalt  }
0x87: {  	_ =	shalt  }
.Lfunc_end0:
.L_simem_size_0:
called_computation.1_lowered:
.L_overlay_start_0:
0x88: {  	s2 =	sld [smem:$0x3FD9]  }
0x89: {  	s3 =	sld [smem:$0x3FFE];
	_ =	sdelay $0x1  }
0x8a: {  	s1 =	srdreg.scid  }
0x8b: {  	s0 =	sand.u32 $0x1, s1  }
0x8c: {  	s14 =	sshll.u32 s0, $0xA;
	s2 =	sadd.s32 s3, s2  }
0x8d: {  	s2 =	sadd.s32 s2, s14  }
0x8e: {  	[smem:$0x3FB3] =	sst s2  }
0x8f: {  	_ = 	snop  }
0x90: {  	s2 =	sld [smem:$0x3FD0];
	_ =	sdelay $0x2  }
0x91: {  	s15 =	simm.s32 $0xA;
	s4 =	simm.s32 $0x10  }
0x92: {  	[smem:s4], [sflag:s15] =	dma.local [hbm:s2], $0x1  }
0x93: {  	_ =	swait.eq [sflag:s15], $0x1  }
0x94: {  	[sflag:s15] =	ssyncset.done $0x0  }
0x95: {  	s16 =	sld [smem:$0x10];
	[sflag:s15] =	ssyncadd.s32 $0xFFFFFFFF  }
0x96: {  	s17 =	sld [smem:$0x11];
	(tm) =	ssettm $0x1  }
0x97: {  	s18 =	sld [smem:$0x3FFB];
	_ =	sdelay $0x3  }
0x98: {  	_ =	strace s18  }
0x99: {  	s4 =	sld [smem:$0x3FFC];
	_ =	sdelay $0x3  }
0x9a: {  	_ =	strace s4  }
0x9b: {  	s4 =	sld [smem:$0x3FFD];
	_ =	sdelay $0x3  }
0x9c: {  	_ =	strace s4  }
0x9d: {  	_ =	strace $0x8FFFFFFF  }
0x9e: {  	s19 =	sld [smem:$0x3FDB];
	_ =	sdelay $0x1  }
0x9f: {  	s5 =	simm.s32 $_scs_section_size  }
0xa0: {  	s6 =	simm.s32 $_size__tile_overlayer_lowered;
	s7 =	simm.s32 $_tile_overlayer_lowered  }
0xa1: {  	s22 =	simm.s32 $0x1BFF;
	s21 =	sshll.u32 s7, $0x1;
	s4 =	sadd.s32 s5, s19  }
0xa2: {  	s8 =	simm.s32 $0x0;
	s20 =	sshll.u32 s6, $0x1;
	s6 =	sadd.s32 s21, s4  }
0xa3: {  	[timem:s8], [sflag:s22] =	dma.local [hbm:s6], s20  }
0xa4: {  	_ =	swait.ge [sflag:s22], s20  }
0xa5: {  	s5 =	ssub.s32 $0x0, s20;
	[sflag:s22] =	ssyncset.done $0x0  }
0xa6: {  	[sflag:s22] =	ssyncadd.s32 s5;
	_ =	sdelay $0x1  }
0xa7: {  	s23 =	simm.s32 $0x1B8B  }
0xa8: {  	_ =	swait.ge [sflag:s23], $0x1  }
0xa9: {  	[sflag:s23] =	ssyncset.done $0x0  }
0xaa: {  	s25 =	simm.s32 $0x1B8E;
	s24 =	sld [smem:$0x3FFE];
	[sflag:s23] =	ssyncadd.s32 $0xFFFFFFFF  }
0xab: {  	s26 =	simm.s32 $execute0_lowered;
	[smem:$0x3FD2] =	sst s25  }
0xac: {  	s6 =	sshll.u32 s26, $0x1;
	_ =	strace $0x80000049;
	[dreg:$0x1] =	wrdreg $0xFFFFFFFF  }
0xad: {  	s28 =	simm.s32 $_size_execute0_lowered;
	s4 =	sadd.s32 s4, s6;
	[dreg:$0x0] =	wrdreg $0x0  }
0xae: {  	s6 =	sshll.u32 s28, $0x1;
	[dreg:$0x2] =	wrdreg s4  }
0xaf: {  	[dreg:$0x3] =	wrdreg s6  }
0xb0: {  	[dreg:$0x4] =	wrdreg $0xC0  }
0xb1: {  	_ =	task [dreg:s8], $0x5FFFF  }
0xb2: {  	[dreg:$0x1] =	wrdreg $0xFFFFFFFF  }
0xb3: {  	[dreg:$0x0] =	wrdreg $0x60  }
0xb4: {  	[dreg:$0x2] =	wrdreg s16  }
0xb5: {  	[dreg:$0x3] =	wrdreg s24  }
0xb6: {  	[dreg:$0x4] =	wrdreg s17  }
0xb7: {  	[dreg:$0x5] =	wrdreg $0x90000  }
0xb8: {  	[dreg:$0x6] =	wrdreg $0x9  }
0xb9: {  	_ =	task.clear_ibuf [dreg:s8], $0x7FFFF;
	_ =	strace $0x90000049  }
0xba: {  	s29 =	simm.s32 $0x9;
	_ =	strace $0x8000004B  }
0xbb: {  	_ =	swait.ge [sflag:s29], $0x1  }
0xbc: {  	[sflag:s29] =	ssyncadd.s32 $0xFFFFFFFF  }
0xbd: {  	_ =	strace $0x9000004B  }
0xbe: {  	_ =	sfence  }
0xbf: {  	s30 =	sld [smem:$0x0];
	_ =	sdelay $0x2  }
0xc0: {  	s31 =	sshll.u32 s1, $0xD;
	s1 =	sshrl.u32 s1, $0x2  }
0xc1: {  	s3 =	sand.u32 $0x4000, s31;
	s1 =	sadd.s32 s1, s30  }
0xc2: {  	s0 =	sor.u32 s3, s0;
	s1 =	sshll.u32 s1, $0x11  }
0xc3: {  	s0 =	sor.u32 s1, s0  }
0xc4: {  	s0 =	sadd.s32 $0x8F2B, s0  }
0xc5: {  	[sflag:s0] =	ssyncadd.remote.s32 $0x1  }
0xc6: {  	_ =	sfence.sel $0xFFFF  }
0xc7: {  	[dreg:$0x0] =	wrdreg $0xFFFFFFFF;
	(pc) =	sbr.abs _section_cstart, $3  }
0xc8: {  	[dreg:$0x1] =	wrdreg $0xFFFFFFFF  }
0xc9: {  	_ =	task.clear_ibuf [dreg:s8], $0x2FFFF;
	_ =	strace $0x9FFFFFFF  }
0xca: {  	(tm) =	ssettm $0x7FFFFFFF  }
0xcb: {  	_ =	shalt  }
tec
execute0_lowered:
.L_overlay_start_1:
0x0: {  	(tag) =	ssettag $0x1  }
0x1: {  	s1 =	rddreg [dreg:$0x0]  }
0x2: {  	s7 =	rddreg [dreg:$0x1]  }
0x3: {  	s3 =	rddreg [dreg:$0x2]  }
0x4: {  	s0 =	srdreg.scid;
	s4 =	rddreg [dreg:$0x3];
	s5 =	simm.s32 $0x0  }
0x5: {  	s12 =	simm.s32 $0x2780;
	s15 =	simm.s32 $0x5000;
	s16 =	simm.s32 $0x1  }
0x6: {  	s17 =	simm.s32 $0x4F00;
	s18 =	simm.s32 $0x10;
	s19 =	simm.s32 $0x2700  }
0x7: {  	s20 =	simm.s32 $0x4F80;
	s6 =	sand.u32 $0x1, s0;
	s0 =	stileid.u32  }
0x8: {  	[smem:$0x7FF] =	sst s5;
	s2 =	sshll.u32 s6, $0x4;
	s31 =	smul.u32 $0x28000, s6  }
0x9: {  	s9 =	sshll.u32 s0, $0x7;
	s6 =	ssub.s32 $0x2, s6;
	s10 =	smul.u32 $0x50000, s0  }
0xa: {  	s22 =	smul.u32 $0x2800, s0;
	s13 =	sshll.u32 s0, $0x6;
	s2 =	sor.u32 s0, s2  }
0xb: {  	s9 =	sand.u32 $0x380, s9;
	s11 =	sshrl.u32 s6, $0x1;
	s2 =	sshrl.u32 s2, $0x3  }
0xc: {  	s13 =	sor.u32 $0x1C02, s13;
	s11 =	ssub.s32 s6, s11;
	s8 =	smul.u32 $0x13C00, s2  }
0xd: {  	s10 =	sshrl.u32 s10, $0x2;
	s2 =	rddreg [dreg:$0x4];
	_ =	strace $0x8000004A  }
0xe: {  	s14 =	sadd.s32 s10, s4;
	s10 =	simm.s32 $0x400;
	s8 =	sor.u32 s9, s8  }
0xf: {  	s14 =	sshrl.u32 s14, $0x3;
	s9 =	sadd.s32 s31, s7;
	s8 =	sshrl.u32 s8, $0x3  }
0x10: {  	s21 =	sadd.s32 $0x18200, s9;
	s9 =	simm.s32 $0x80;
	s8 =	sadd.s32 s8, s7  }
0x11: {  	s21 =	sadd.s32 s22, s21;
	s22 =	simm.s32 $0x0;
	s6 =	sadd.s32 $0xE400, s8  }
0x12: {  	s7 =	sadd.s32 $0x4600, s8;
	s8 =	smax.u32 s11, $0x1;
	s11 =	simm.s32 $0x2  }
.LBB2_1:
0x13: {  	[tilespmem:s5], [sflag:$0x2] =	stream.strided.gather [hbm4b:s6+s9], $0x2780, s10, s9, $0x38;
	[tilespmem:$0x1D000] =	vst v63  }
0x14: {  	_ =	swait.ge [sflag:s11], $0x2780  }
0x15: {  	[sflag:s11] =	ssyncset.done $0x0  }
0x16: {  	[sflag:s11] =	ssyncadd.s32 $0xFFFFD880  }
0x17: {  	[tilespmem:s12], [sflag:$0x2] =	stream.strided.gather [hbm4b:s7+s9], $0x2780, s10, s9, $0x38;
	[tilespmem:$0x1D000] =	vst v63  }
0x18: {  	_ =	swait.ge [sflag:s11], $0x2780  }
0x19: {  	[sflag:s11] =	ssyncset.done $0x0  }
0x1a: {  	[sflag:s11] =	ssyncadd.s32 $0xFFFFD880  }
0x1b: {  	[spmem:s14], [sflag:s13] =	dma.local [hbm:s3], $0x2800  }
0x1c: {  	_ =	swait.ge [sflag:s11], $0x2800  }
0x1d: {  	[sflag:s11] =	ssyncset.done $0x0  }
0x1e: {  	[sflag:s11] =	ssyncadd.s32 $0xFFFFD800  }
0x1f: {  	s23 =	simm.s32 $0x0;
	[bflag:$0x0] =	sbarrier.arrive $0xFFFF  }
0x20: {  	v0 =	vld [tilespmem:s23+$0x2780];
	_ =	sdelay $0x4  }
0x21: {  	[tilespmem:$0x4F00] =	vst v0  }
0x22: {  	v0 =	vld [tilespmem:s23+$0x2790];
	_ =	sdelay $0x4  }
0x23: {  	[tilespmem:$0x4F10] =	vst v0  }
0x24: {  	v0 =	vld [tilespmem:s23+$0x27A0];
	_ =	sdelay $0x4  }
0x25: {  	[tilespmem:$0x4F20] =	vst v0  }
0x26: {  	v0 =	vld [tilespmem:s23+$0x27B0];
	_ =	sdelay $0x4  }
0x27: {  	[tilespmem:$0x4F30] =	vst v0  }
0x28: {  	v0 =	vld [tilespmem:s23+$0x27C0];
	_ =	sdelay $0x4  }
0x29: {  	[tilespmem:$0x4F40] =	vst v0  }
0x2a: {  	v0 =	vld [tilespmem:s23+$0x27D0];
	_ =	sdelay $0x4  }
0x2b: {  	[tilespmem:$0x4F50] =	vst v0  }
0x2c: {  	v0 =	vld [tilespmem:s23+$0x27E0];
	_ =	sdelay $0x4  }
0x2d: {  	[tilespmem:$0x4F60] =	vst v0  }
0x2e: {  	v0 =	vld [tilespmem:s23+$0x27F0];
	_ =	sdelay $0x4  }
0x2f: {  	[tilespmem:$0x4F70] =	vst v0  }
0x30: {  	[tilespmem:s15], [sflag:$0x1] =	stream.indirect.gather [hbm4b:s1+s9], $0x80, s23, s9, $0xb8;
	[tilespmem:$0x1D000] =	vst v63  }
0x31: {  	_ =	swait.ge [sflag:s16], $0x4000  }
0x32: {  	[sflag:s16] =	ssyncset.done $0x0  }
0x33: {  	[sflag:s16] =	ssyncadd.s32 $0xFFFFC000  }
0x34: {  	[spmem:s4] =	stream.indirect.scatter.add.f32 [tilespmem:s15], [sflag:$0x2], $0x80, s17, s9, $0xb8;
	[tilespmem:$0x1D000] =	vst v63  }
0x35: {  	_ =	swait.ge [sflag:s11], $0x4000  }
0x36: {  	s26 =	simm.s32 $0x400;
	s23 =	simm.s32 $0x200;
	[sflag:s11] =	ssyncset.done $0x0  }
.LBB2_2:
0x37: {  	s25 =	sshra.s32 s23, $0x2  }
0x38: {  	[sflag:s11] =	ssyncadd.s32 $0xFFFFC000;
	s23 =	smov.u32 s26;
	s24 =	sadd.s32 $0x200, s26  }
0x39: {  	p0 =	sne.s32 s26, $0x9A00;
	v0 =	vld [tilespmem:s25+$0x2780];
	_ =	sdelay $0x4  }
0x3a: {  	[tilespmem:$0x4F00] =	vst v0  }
0x3b: {  	v0 =	vld [tilespmem:s25+$0x2790];
	_ =	sdelay $0x4  }
0x3c: {  	[tilespmem:$0x4F10] =	vst v0  }
0x3d: {  	v0 =	vld [tilespmem:s25+$0x27A0];
	_ =	sdelay $0x4  }
0x3e: {  	[tilespmem:$0x4F20] =	vst v0  }
0x3f: {  	v0 =	vld [tilespmem:s25+$0x27B0];
	_ =	sdelay $0x4  }
0x40: {  	[tilespmem:$0x4F30] =	vst v0  }
0x41: {  	v0 =	vld [tilespmem:s25+$0x27C0];
	_ =	sdelay $0x4  }
0x42: {  	[tilespmem:$0x4F40] =	vst v0  }
0x43: {  	v0 =	vld [tilespmem:s25+$0x27D0];
	_ =	sdelay $0x4  }
0x44: {  	[tilespmem:$0x4F50] =	vst v0  }
0x45: {  	v0 =	vld [tilespmem:s25+$0x27E0];
	_ =	sdelay $0x4  }
0x46: {  	[tilespmem:$0x4F60] =	vst v0  }
0x47: {  	v0 =	vld [tilespmem:s25+$0x27F0];
	_ =	sdelay $0x4  }
0x48: {  	[tilespmem:$0x4F70] =	vst v0  }
0x49: {  	[tilespmem:s15], [sflag:$0x1] =	stream.indirect.gather [hbm4b:s1+s9], $0x80, s25, s9, $0xb8;
	[tilespmem:$0x1D000] =	vst v63  }
0x4a: {  	_ =	swait.ge [sflag:s16], $0x4000  }
.Ltmp0:
0x4b: {  	[sflag:s16] =	ssyncset.done $0x0;
	(pc) =	sbr.rel @p0 .LBB2_2-.Ltmp0, $4  }
0x4c: {  	[sflag:s16] =	ssyncadd.s32 $0xFFFFC000  }
0x4d: {  	[spmem:s4] =	stream.indirect.scatter.add.f32 [tilespmem:s15], [sflag:$0x2], $0x80, s17, s9, $0xb8;
	[tilespmem:$0x1D000] =	vst v63  }
0x4e: {  	_ =	swait.ge [sflag:s11], $0x4000  }
0x4f: {  	s26 =	smov.u32 s24;
	[sflag:s11] =	ssyncset.done $0x0  }
0x50: {  	s23 =	sshra.s32 s23, $0x2;
	[sflag:s11] =	ssyncadd.s32 $0xFFFFC000  }
0x51: {  	v0 =	vld [tilespmem:s23+$0x2780];
	_ =	sdelay $0x4  }
0x52: {  	[tilespmem:$0x4F00] =	vst v0  }
0x53: {  	v0 =	vld [tilespmem:s23+$0x2790];
	_ =	sdelay $0x4  }
0x54: {  	[tilespmem:$0x4F10] =	vst v0  }
0x55: {  	v0 =	vld [tilespmem:s23+$0x27A0];
	_ =	sdelay $0x4  }
0x56: {  	[tilespmem:$0x4F20] =	vst v0  }
0x57: {  	v0 =	vld [tilespmem:s23+$0x27B0];
	_ =	sdelay $0x4  }
0x58: {  	[tilespmem:$0x4F30] =	vst v0  }
0x59: {  	v0 =	vld [tilespmem:s23+$0x27C0];
	_ =	sdelay $0x4  }
0x5a: {  	[tilespmem:$0x4F40] =	vst v0  }
0x5b: {  	v0 =	vld [tilespmem:s23+$0x27D0];
	_ =	sdelay $0x4  }
0x5c: {  	[tilespmem:$0x4F50] =	vst v0  }
0x5d: {  	v0 =	vld [tilespmem:s23+$0x27E0];
	_ =	sdelay $0x4  }
0x5e: {  	[tilespmem:$0x4F60] =	vst v0  }
0x5f: {  	v0 =	vld [tilespmem:s23+$0x27F0];
	_ =	sdelay $0x4  }
0x60: {  	[tilespmem:$0x4F70] =	vst v0  }
0x61: {  	[tilespmem:s15], [sflag:$0x1] =	stream.indirect.gather [hbm4b:s1+s9], $0x80, s23, s9, $0xb8;
	[tilespmem:$0x1D000] =	vst v63  }
0x62: {  	_ =	swait.ge [sflag:s16], $0x4000  }
0x63: {  	[sflag:s16] =	ssyncset.done $0x0  }
0x64: {  	[sflag:s16] =	ssyncadd.s32 $0xFFFFC000  }
0x65: {  	[spmem:s4] =	stream.indirect.scatter.add.f32 [tilespmem:s15], [sflag:$0x2], $0x80, s17, s9, $0xb8;
	[tilespmem:$0x1D000] =	vst v63  }
0x66: {  	_ =	swait.ge [sflag:s11], $0x4000  }
0x67: {  	[sflag:s11] =	ssyncset.done $0x0  }
0x68: {  	[sflag:s11] =	ssyncadd.s32 $0xFFFFC000  }
0x69: {  	v63 =	vld [tilespmem:$0x4E80];
	_ =	sdelay $0x4  }
0x6a: {  	[tilespmem:$0x4F80] =	vst v63  }
0x6b: {  	[tilespmem:s15], [sflag:$0x1] =	stream.indirect.gather [hbm4b:s1+s18], $0x80, s19, s18, $0xb8;
	[tilespmem:$0x1D000] =	vst v63  }
0x6c: {  	_ =	swait.ge [sflag:s16], $0x800  }
0x6d: {  	[sflag:s16] =	ssyncset.done $0x0  }
0x6e: {  	[sflag:s16] =	ssyncadd.s32 $0xFFFFF800  }
0x6f: {  	[spmem:s4] =	stream.indirect.scatter.add.f32 [tilespmem:s15], [sflag:$0x2], $0x80, s20, s18, $0xb8;
	[tilespmem:$0x1D000] =	vst v63  }
0x70: {  	_ =	swait.ge [sflag:s11], $0x800  }
0x71: {  	s22 =	sadd.s32 $0x1, s22;
	[sflag:s11] =	ssyncset.done $0x0  }
0x72: {  	p0 =	sne.s32 s22, s8;
	[sflag:s11] =	ssyncadd.s32 $0xFFFFF800  }
.Ltmp1:
0x73: {  	[bflag:$0x0] =	sbarrier.arrive $0xFFFF;
	(pc) =	sbr.rel @p0 .LBB2_1-.Ltmp1, $4  }
0x74: {  	[hbm:s21], [sflag:s13] =	dma.local [spmem:s14], $0x2800  }
0x75: {  	_ =	swait.ge [sflag:s11], $0x2800  }
0x76: {  	[sflag:s11] =	ssyncset.done $0x0  }
0x77: {  	[sflag:s11] =	ssyncadd.s32 $0xFFFFD800  }
0x78: {  	_ =	sfence.sel $0x180000  }
0x79: {  	[bflag:$0x0] =	sbarrier.arrive $0xFFFF  }
0x7a: {  	p0 =	sne.s32 s0, $0x0;
	_ =	strace $0x9000004A  }
0x7b: {  	s0 =	sadd.s32 @!p0 $0x100000, s2;
	[bflag:$0x2] =	sbarrier.arrive $0xFFFF  }
0x7c: {  	[sflag:s0] =	ssyncadd.tile.s32 @!p0 $0x1;
	_ =	shalt  }
.Lfunc_end2:
_tile_overlayer_lowered:
.L_overlay_start_2:
0x7d: {  	(tag) =	ssettag $0x2  }
0x7e: {  	s0 =	rddreg [dreg:$0x0];
	s2 =	stileid.u32  }
0x7f: {  	s1 =	rddreg [dreg:$0x1];
	p0 =	sne.s32 s2, $0x0  }
0x80: {  	s3 =	rddreg [dreg:$0x2];
	[bflag:$0x3] =	sbarrier.arrive $0xFFFF;
	s2 =	simm.s32 @!p0 $0x1C02  }
0x81: {  	[timem:s3], [sflag:s2] =	dma.local @!p0 [hbm:s0], s1  }
0x82: {  	s0 =	simm.s32 @!p0 $0x2  }
0x83: {  	_ =	swait.ge @!p0 [sflag:s0], s1  }
0x84: {  	s1 =	ssub.s32 @!p0 $0x0, s1;
	[sflag:s0] =	ssyncset.done @!p0 $0x0  }
0x85: {  	[sflag:s0] =	ssyncadd.s32 @!p0 s1  }
0x86: {  	[bflag:$0x3] =	sbarrier.arrive $0xFFFF  }
0x87: {  	_ =	shalt  }

// kernel: kernel.14.cloned.1.call-start
scs
__scs_entry_jumppad:
0x0: {  	(pc) =	sbr.rel $0x88, $3  }
0x1: {  	(tag) =	ssettag $0x0;
	lr =	simm.s32 $0x1  }
0x2: {  	[smem:$0x3F8C] =	sst lr;
	_ =	strace $0xD0000000  }
0x3: {  	_ = 	snop  }
0x4: {  	_ = 	snop  }
0x5: {  	_ = 	snop  }
0x6: {  	_ = 	snop  }
0x7: {  	_ = 	snop  }
__scs_overlays_trampoline_lowered:
0x8: {  	[smem:$0x3F9B] =	sst s0  }
0x9: {  	[smem:$0x3F9C] =	sst s1  }
0xa: {  	[smem:$0x3F9D] =	sst s2  }
0xb: {  	[smem:$0x3F9E] =	sst s3  }
0xc: {  	[smem:$0x3F9F] =	sst s4  }
0xd: {  	[smem:$0x3FA0] =	sst s5  }
0xe: {  	[smem:$0x3FA1] =	sst s6  }
0xf: {  	[smem:$0x3FA2] =	sst s7  }
0x10: {  	[smem:$0x3FA3] =	sst s8  }
0x11: {  	[smem:$0x3FA4] =	sst s9;
	s0 =	simm.s32 @!p0 $0x0  }
0x12: {  	s1 =	sld [smem:$0x3F8A];
	s0 =	simm.s32 @p0 $0x1  }
0x13: {  	[smem:$0x3FA5] =	sst s0;
	s0 =	simm.s32 @!p1 $0x0  }
0x14: {  	s2 =	sld [smem:$0x3F89];
	s0 =	simm.s32 @p1 $0x1  }
0x15: {  	[smem:$0x3FA6] =	sst s0;
	s0 =	simm.s32 @!p2 $0x0  }
0x16: {  	s3 =	sld [smem:$0x3FDB];
	s0 =	simm.s32 @p2 $0x1  }
0x17: {  	s4 =	simm.s32 $0x1BF5;
	[smem:$0x3FA8] =	sst s0  }
0x18: {  	s0 =	sld [smem:$0x3F8B];
	_ =	swait.ge [sflag:s4], $0x0  }
0x19: {  	s7 =	sld [smem:$0x3F8C]  }
0x1a: {  	s8 =	sadd.s32 $0xFFFFE003, lr  }
0x1b: {  	s9 =	sadd.s32 $0xFFFFFEF7, lr;
	s5 =	simm.s32 $0xFFFFFFFF;
	p2 =	slt.u32 s8, $0xFFFFF086  }
0x1c: {  	p1 =	slt.u32 s9, $0xF7A;
	s5 =	simm.s32 @!p2 $0x0  }
0x1d: {  	s5 =	simm.s32 @p1 $0x1;
	p0 =	seq.s32 s7, s2  }
0x1e: {  	s7 =	smul.u32 @!p0 $0xF7A, s2;
	p2 =	seq.s32 @!p0 s5, $0x0  }
0x1f: {  	s9 =	smul.u32 $0xF7A, s1;
	s8 =	simm.s32 @!p0 $0x1BF5;
	p2 =	por !p2, p0  }
0x20: {  	[sflag:s8] =	ssyncset.s32 @!p0 $0xFFFFF086;
	s6 =	sadd.s32 @!p0 s3, s7;
	s7 =	simm.s32 @!p0 $0x108  }
0x21: {  	s3 =	sadd.s32 s3, s9;
	s6 =	sadd.s32 @!p0 $0x88, s6;
	s7 =	simm.s32 @p2 $0x1082  }
0x22: {  	[simem:s7], [sflag:s8] =	dma.local @!p0 [hbm:s6], $0xF7A  }
0x23: {  	s9 =	sor.u32 $0xD0000000, s2;
	s6 =	simm.s32 $0x108;
	_ =	swait.ge @!p0 [sflag:s8], $0x0  }
0x24: {  	s3 =	sadd.s32 $0x88, s3;
	s6 =	simm.s32 @!p1 $0x1082;
	[sflag:s4] =	ssyncset.s32 $0xFFFFF086  }
0x25: {  	[simem:s6], [sflag:s4] =	dma.local [hbm:s3], $0xF7A  }
0x26: {  	[smem:$0x3F8C] =	sst s1;
	(tag) =	ssettag s2;
	_ =	strace s9  }
0x27: {  	s1 =	sld [smem:$0x3F9C]  }
0x28: {  	s2 =	sld [smem:$0x3F9D]  }
0x29: {  	s4 =	sld [smem:$0x3F9F]  }
0x2a: {  	p0 =	seq.s32 s5, $0x0;
	s5 =	sld [smem:$0x3FA0]  }
0x2b: {  	s6 =	sld [smem:$0x3FA1]  }
0x2c: {  	s7 =	sld [smem:$0x3FA2]  }
0x2d: {  	s3 =	simm.s32 $0x108;
	s8 =	sld [smem:$0x3FA3]  }
0x2e: {  	s3 =	simm.s32 @!p0 $0x1082;
	s9 =	sld [smem:$0x3FA4]  }
0x2f: {  	lr =	sadd.s32 s0, s3;
	s0 =	sld [smem:$0x3F9B]  }
0x30: {  	s3 =	sld [smem:$0x3F9E]  }
0x31: {  	[smem:$0x3FA7] =	sst s10  }
0x32: {  	s10 =	sld [smem:$0x3FA5];
	_ =	sdelay $0x3  }
0x33: {  	p0 =	seq.s32 s10, $0x1;
	s10 =	sld [smem:$0x3FA7];
	_ =	sdelay $0x3  }
0x34: {  	[smem:$0x3FA7] =	sst s10  }
0x35: {  	s10 =	sld [smem:$0x3FA6];
	_ =	sdelay $0x3  }
0x36: {  	p1 =	seq.s32 s10, $0x1;
	s10 =	sld [smem:$0x3FA7];
	_ =	sdelay $0x3  }
0x37: {  	[smem:$0x3FA7] =	sst s10  }
0x38: {  	s10 =	sld [smem:$0x3FA8]  }
0x39: {  	_ = 	snop;
	(pc) =	sbr.ind lr, $3  }
0x3a: {  	_ = 	snop  }
0x3b: {  	_ = 	snop  }
0x3c: {  	p2 =	seq.s32 s10, $0x1;
	s10 =	sld [smem:$0x3FA7]  }
0x3d: {  	_ =	shalt  }
0x3e: {  	_ =	shalt  }
0x3f: {  	_ =	shalt  }
0x40: {  	_ =	shalt  }
0x41: {  	_ =	shalt  }
0x42: {  	_ =	shalt  }
0x43: {  	_ =	shalt  }
0x44: {  	_ =	shalt  }
0x45: {  	_ =	shalt  }
0x46: {  	_ =	shalt  }
0x47: {  	_ =	shalt  }
0x48: {  	_ =	shalt  }
0x49: {  	_ =	shalt  }
0x4a: {  	_ =	shalt  }
0x4b: {  	_ =	shalt  }
0x4c: {  	_ =	shalt  }
0x4d: {  	_ =	shalt  }
0x4e: {  	_ =	shalt  }
0x4f: {  	_ =	shalt  }
0x50: {  	_ =	shalt  }
0x51: {  	_ =	shalt  }
0x52: {  	_ =	shalt  }
0x53: {  	_ =	shalt  }
0x54: {  	_ =	shalt  }
0x55: {  	_ =	shalt  }
0x56: {  	_ =	shalt  }
0x57: {  	_ =	shalt  }
0x58: {  	_ =	shalt  }
0x59: {  	_ =	shalt  }
0x5a: {  	_ =	shalt  }
0x5b: {  	_ =	shalt  }
0x5c: {  	_ =	shalt  }
0x5d: {  	_ =	shalt  }
0x5e: {  	_ =	shalt  }
0x5f: {  	_ =	shalt  }
0x60: {  	_ =	shalt  }
0x61: {  	_ =	shalt  }
0x62: {  	_ =	shalt  }
0x63: {  	_ =	shalt  }
0x64: {  	_ =	shalt  }
0x65: {  	_ =	shalt  }
0x66: {  	_ =	shalt  }
0x67: {  	_ =	shalt  }
0x68: {  	_ =	shalt  }
0x69: {  	_ =	shalt  }
0x6a: {  	_ =	shalt  }
0x6b: {  	_ =	shalt  }
0x6c: {  	_ =	shalt  }
0x6d: {  	_ =	shalt  }
0x6e: {  	_ =	shalt  }
0x6f: {  	_ =	shalt  }
0x70: {  	_ =	shalt  }
0x71: {  	_ =	shalt  }
0x72: {  	_ =	shalt  }
0x73: {  	_ =	shalt  }
0x74: {  	_ =	shalt  }
0x75: {  	_ =	shalt  }
0x76: {  	_ =	shalt  }
0x77: {  	_ =	shalt  }
0x78: {  	_ =	shalt  }
0x79: {  	_ =	shalt  }
0x7a: {  	_ =	shalt  }
0x7b: {  	_ =	shalt  }
0x7c: {  	_ =	shalt  }
0x7d: {  	_ =	shalt  }
0x7e: {  	_ =	shalt  }
0x7f: {  	_ =	shalt  }
0x80: {  	_ =	shalt  }
0x81: {  	_ =	shalt  }
0x82: {  	_ =	shalt  }
0x83: {  	_ =	shalt  }
0x84: {  	_ =	shalt  }
0x85: {  	_ =	shalt  }
0x86: {  	_ =	shalt  }
0x87: {  	_ =	shalt  }
.Lfunc_end0:
.L_simem_size_0:
called_computation.2_lowered:
.L_overlay_start_0:
0x88: {  	s2 =	sld [smem:$0x3FD9]  }
0x89: {  	s3 =	sld [smem:$0x3FFE];
	_ =	sdelay $0x1  }
0x8a: {  	s1 =	srdreg.scid  }
0x8b: {  	s0 =	sand.u32 $0x1, s1  }
0x8c: {  	s14 =	sshll.u32 s0, $0xA;
	s2 =	sadd.s32 s3, s2  }
0x8d: {  	s2 =	sadd.s32 s2, s14  }
0x8e: {  	[smem:$0x3FB3] =	sst s2  }
0x8f: {  	_ = 	snop  }
0x90: {  	s2 =	sld [smem:$0x3FD0];
	_ =	sdelay $0x2  }
0x91: {  	s15 =	simm.s32 $0xA;
	s4 =	simm.s32 $0x10  }
0x92: {  	[smem:s4], [sflag:s15] =	dma.local [hbm:s2], $0x1  }
0x93: {  	_ =	swait.eq [sflag:s15], $0x1  }
0x94: {  	[sflag:s15] =	ssyncset.done $0x0  }
0x95: {  	s16 =	sld [smem:$0x10];
	[sflag:s15] =	ssyncadd.s32 $0xFFFFFFFF  }
0x96: {  	s17 =	sld [smem:$0x11];
	(tm) =	ssettm $0x1  }
0x97: {  	s18 =	sld [smem:$0x3FFB];
	_ =	sdelay $0x3  }
0x98: {  	_ =	strace s18  }
0x99: {  	s4 =	sld [smem:$0x3FFC];
	_ =	sdelay $0x3  }
0x9a: {  	_ =	strace s4  }
0x9b: {  	s4 =	sld [smem:$0x3FFD];
	_ =	sdelay $0x3  }
0x9c: {  	_ =	strace s4  }
0x9d: {  	_ =	strace $0x8FFFFFFF  }
0x9e: {  	s19 =	sld [smem:$0x3FDB];
	_ =	sdelay $0x1  }
0x9f: {  	s5 =	simm.s32 $_scs_section_size  }
0xa0: {  	s6 =	simm.s32 $_size__tile_overlayer_lowered;
	s7 =	simm.s32 $_tile_overlayer_lowered  }
0xa1: {  	s22 =	simm.s32 $0x1BFF;
	s21 =	sshll.u32 s7, $0x1;
	s4 =	sadd.s32 s5, s19  }
0xa2: {  	s8 =	simm.s32 $0x0;
	s20 =	sshll.u32 s6, $0x1;
	s6 =	sadd.s32 s21, s4  }
0xa3: {  	[timem:s8], [sflag:s22] =	dma.local [hbm:s6], s20  }
0xa4: {  	_ =	swait.ge [sflag:s22], s20  }
0xa5: {  	s5 =	ssub.s32 $0x0, s20;
	[sflag:s22] =	ssyncset.done $0x0  }
0xa6: {  	[sflag:s22] =	ssyncadd.s32 s5;
	_ =	sdelay $0x1  }
0xa7: {  	s23 =	simm.s32 $0x1B8B  }
0xa8: {  	_ =	swait.ge [sflag:s23], $0x1  }
0xa9: {  	[sflag:s23] =	ssyncset.done $0x0  }
0xaa: {  	s25 =	simm.s32 $0x1B8E;
	s24 =	sld [smem:$0x3FFE];
	[sflag:s23] =	ssyncadd.s32 $0xFFFFFFFF  }
0xab: {  	s26 =	simm.s32 $execute0_lowered;
	[smem:$0x3FD2] =	sst s25  }
0xac: {  	s6 =	sshll.u32 s26, $0x1;
	_ =	strace $0x8000004C;
	[dreg:$0x1] =	wrdreg $0xFFFFFFFF  }
0xad: {  	s28 =	simm.s32 $_size_execute0_lowered;
	s4 =	sadd.s32 s4, s6;
	[dreg:$0x0] =	wrdreg $0x0  }
0xae: {  	s6 =	sshll.u32 s28, $0x1;
	[dreg:$0x2] =	wrdreg s4  }
0xaf: {  	[dreg:$0x3] =	wrdreg s6  }
0xb0: {  	[dreg:$0x4] =	wrdreg $0xC0  }
0xb1: {  	_ =	task [dreg:s8], $0x5FFFF  }
0xb2: {  	[dreg:$0x1] =	wrdreg $0xFFFFFFFF  }
0xb3: {  	[dreg:$0x0] =	wrdreg $0x60  }
0xb4: {  	[dreg:$0x2] =	wrdreg s16  }
0xb5: {  	[dreg:$0x3] =	wrdreg s24  }
0xb6: {  	[dreg:$0x4] =	wrdreg s17  }
0xb7: {  	[dreg:$0x5] =	wrdreg $0x90000  }
0xb8: {  	[dreg:$0x6] =	wrdreg $0x9  }
0xb9: {  	_ =	task.clear_ibuf [dreg:s8], $0x7FFFF;
	_ =	strace $0x9000004C  }
0xba: {  	s29 =	simm.s32 $0x9;
	_ =	strace $0x8000004E  }
0xbb: {  	_ =	swait.ge [sflag:s29], $0x1  }
0xbc: {  	[sflag:s29] =	ssyncadd.s32 $0xFFFFFFFF  }
0xbd: {  	_ =	strace $0x9000004E  }
0xbe: {  	_ =	sfence  }
0xbf: {  	s30 =	sld [smem:$0x0];
	_ =	sdelay $0x2  }
0xc0: {  	s31 =	sshll.u32 s1, $0xD;
	s1 =	sshrl.u32 s1, $0x2  }
0xc1: {  	s3 =	sand.u32 $0x4000, s31;
	s1 =	sadd.s32 s1, s30  }
0xc2: {  	s0 =	sor.u32 s3, s0;
	s1 =	sshll.u32 s1, $0x11  }
0xc3: {  	s0 =	sor.u32 s1, s0  }
0xc4: {  	s0 =	sadd.s32 $0x8F2B, s0  }
0xc5: {  	[sflag:s0] =	ssyncadd.remote.s32 $0x1  }
0xc6: {  	_ =	sfence.sel $0xFFFF  }
0xc7: {  	[dreg:$0x0] =	wrdreg $0xFFFFFFFF;
	(pc) =	sbr.abs _section_cstart, $3  }
0xc8: {  	[dreg:$0x1] =	wrdreg $0xFFFFFFFF  }
0xc9: {  	_ =	task.clear_ibuf [dreg:s8], $0x2FFFF;
	_ =	strace $0x9FFFFFFF  }
0xca: {  	(tm) =	ssettm $0x7FFFFFFF  }
0xcb: {  	_ =	shalt  }
tec
execute0_lowered:
.L_overlay_start_1:
0x0: {  	(tag) =	ssettag $0x1  }
0x1: {  	s1 =	rddreg [dreg:$0x0]  }
0x2: {  	s7 =	rddreg [dreg:$0x1]  }
0x3: {  	s3 =	rddreg [dreg:$0x2]  }
0x4: {  	s0 =	srdreg.scid;
	s4 =	rddreg [dreg:$0x3];
	s5 =	simm.s32 $0x0  }
0x5: {  	s12 =	simm.s32 $0x2780;
	s15 =	simm.s32 $0x5000;
	s16 =	simm.s32 $0x1  }
0x6: {  	s17 =	simm.s32 $0x4F00;
	s18 =	simm.s32 $0x10;
	s19 =	simm.s32 $0x2700  }
0x7: {  	s20 =	simm.s32 $0x4F80;
	s6 =	sand.u32 $0x1, s0;
	s0 =	stileid.u32  }
0x8: {  	[smem:$0x7FF] =	sst s5;
	s2 =	sshll.u32 s6, $0x4;
	s31 =	smul.u32 $0x28000, s6  }
0x9: {  	s9 =	sshll.u32 s0, $0x7;
	s6 =	ssub.s32 $0x2, s6;
	s10 =	smul.u32 $0x50000, s0  }
0xa: {  	s22 =	smul.u32 $0x2800, s0;
	s13 =	sshll.u32 s0, $0x6;
	s2 =	sor.u32 s0, s2  }
0xb: {  	s9 =	sand.u32 $0x380, s9;
	s11 =	sshrl.u32 s6, $0x1;
	s2 =	sshrl.u32 s2, $0x3  }
0xc: {  	s13 =	sor.u32 $0x1C02, s13;
	s11 =	ssub.s32 s6, s11;
	s8 =	smul.u32 $0x13C00, s2  }
0xd: {  	s10 =	sshrl.u32 s10, $0x2;
	s2 =	rddreg [dreg:$0x4];
	_ =	strace $0x8000004D  }
0xe: {  	s14 =	sadd.s32 s10, s4;
	s10 =	simm.s32 $0x400;
	s8 =	sor.u32 s9, s8  }
0xf: {  	s14 =	sshrl.u32 s14, $0x3;
	s9 =	sadd.s32 s31, s7;
	s8 =	sshrl.u32 s8, $0x3  }
0x10: {  	s21 =	sadd.s32 $0x18200, s9;
	s9 =	simm.s32 $0x80;
	s8 =	sadd.s32 s8, s7  }
0x11: {  	s21 =	sadd.s32 s22, s21;
	s22 =	simm.s32 $0x0;
	s6 =	sadd.s32 $0xE400, s8  }
0x12: {  	s7 =	sadd.s32 $0x4600, s8;
	s8 =	smax.u32 s11, $0x1;
	s11 =	simm.s32 $0x2  }
.LBB2_1:
0x13: {  	[tilespmem:s5], [sflag:$0x2] =	stream.strided.gather [hbm4b:s6+s9], $0x2780, s10, s9, $0x38;
	[tilespmem:$0x1D000] =	vst v63  }
0x14: {  	_ =	swait.ge [sflag:s11], $0x2780  }
0x15: {  	[sflag:s11] =	ssyncset.done $0x0  }
0x16: {  	[sflag:s11] =	ssyncadd.s32 $0xFFFFD880  }
0x17: {  	[tilespmem:s12], [sflag:$0x2] =	stream.strided.gather [hbm4b:s7+s9], $0x2780, s10, s9, $0x38;
	[tilespmem:$0x1D000] =	vst v63  }
0x18: {  	_ =	swait.ge [sflag:s11], $0x2780  }
0x19: {  	[sflag:s11] =	ssyncset.done $0x0  }
0x1a: {  	[sflag:s11] =	ssyncadd.s32 $0xFFFFD880  }
0x1b: {  	[spmem:s14], [sflag:s13] =	dma.local [hbm:s3], $0x2800  }
0x1c: {  	_ =	swait.ge [sflag:s11], $0x2800  }
0x1d: {  	[sflag:s11] =	ssyncset.done $0x0  }
0x1e: {  	[sflag:s11] =	ssyncadd.s32 $0xFFFFD800  }
0x1f: {  	s23 =	simm.s32 $0x0;
	[bflag:$0x0] =	sbarrier.arrive $0xFFFF  }
0x20: {  	v0 =	vld [tilespmem:s23+$0x2780];
	_ =	sdelay $0x4  }
0x21: {  	[tilespmem:$0x4F00] =	vst v0  }
0x22: {  	v0 =	vld [tilespmem:s23+$0x2790];
	_ =	sdelay $0x4  }
0x23: {  	[tilespmem:$0x4F10] =	vst v0  }
0x24: {  	v0 =	vld [tilespmem:s23+$0x27A0];
	_ =	sdelay $0x4  }
0x25: {  	[tilespmem:$0x4F20] =	vst v0  }
0x26: {  	v0 =	vld [tilespmem:s23+$0x27B0];
	_ =	sdelay $0x4  }
0x27: {  	[tilespmem:$0x4F30] =	vst v0  }
0x28: {  	v0 =	vld [tilespmem:s23+$0x27C0];
	_ =	sdelay $0x4  }
0x29: {  	[tilespmem:$0x4F40] =	vst v0  }
0x2a: {  	v0 =	vld [tilespmem:s23+$0x27D0];
	_ =	sdelay $0x4  }
0x2b: {  	[tilespmem:$0x4F50] =	vst v0  }
0x2c: {  	v0 =	vld [tilespmem:s23+$0x27E0];
	_ =	sdelay $0x4  }
0x2d: {  	[tilespmem:$0x4F60] =	vst v0  }
0x2e: {  	v0 =	vld [tilespmem:s23+$0x27F0];
	_ =	sdelay $0x4  }
0x2f: {  	[tilespmem:$0x4F70] =	vst v0  }
0x30: {  	[tilespmem:s15], [sflag:$0x1] =	stream.indirect.gather [hbm4b:s1+s9], $0x80, s23, s9, $0xb8;
	[tilespmem:$0x1D000] =	vst v63  }
0x31: {  	_ =	swait.ge [sflag:s16], $0x4000  }
0x32: {  	[sflag:s16] =	ssyncset.done $0x0  }
0x33: {  	[sflag:s16] =	ssyncadd.s32 $0xFFFFC000  }
0x34: {  	[spmem:s4] =	stream.indirect.scatter.add.f32 [tilespmem:s15], [sflag:$0x2], $0x80, s17, s9, $0xb8;
	[tilespmem:$0x1D000] =	vst v63  }
0x35: {  	_ =	swait.ge [sflag:s11], $0x4000  }
0x36: {  	s26 =	simm.s32 $0x400;
	s23 =	simm.s32 $0x200;
	[sflag:s11] =	ssyncset.done $0x0  }
.LBB2_2:
0x37: {  	s25 =	sshra.s32 s23, $0x2  }
0x38: {  	[sflag:s11] =	ssyncadd.s32 $0xFFFFC000;
	s23 =	smov.u32 s26;
	s24 =	sadd.s32 $0x200, s26  }
0x39: {  	p0 =	sne.s32 s26, $0x9A00;
	v0 =	vld [tilespmem:s25+$0x2780];
	_ =	sdelay $0x4  }
0x3a: {  	[tilespmem:$0x4F00] =	vst v0  }
0x3b: {  	v0 =	vld [tilespmem:s25+$0x2790];
	_ =	sdelay $0x4  }
0x3c: {  	[tilespmem:$0x4F10] =	vst v0  }
0x3d: {  	v0 =	vld [tilespmem:s25+$0x27A0];
	_ =	sdelay $0x4  }
0x3e: {  	[tilespmem:$0x4F20] =	vst v0  }
0x3f: {  	v0 =	vld [tilespmem:s25+$0x27B0];
	_ =	sdelay $0x4  }
0x40: {  	[tilespmem:$0x4F30] =	vst v0  }
0x41: {  	v0 =	vld [tilespmem:s25+$0x27C0];
	_ =	sdelay $0x4  }
0x42: {  	[tilespmem:$0x4F40] =	vst v0  }
0x43: {  	v0 =	vld [tilespmem:s25+$0x27D0];
	_ =	sdelay $0x4  }
0x44: {  	[tilespmem:$0x4F50] =	vst v0  }
0x45: {  	v0 =	vld [tilespmem:s25+$0x27E0];
	_ =	sdelay $0x4  }
0x46: {  	[tilespmem:$0x4F60] =	vst v0  }
0x47: {  	v0 =	vld [tilespmem:s25+$0x27F0];
	_ =	sdelay $0x4  }
0x48: {  	[tilespmem:$0x4F70] =	vst v0  }
0x49: {  	[tilespmem:s15], [sflag:$0x1] =	stream.indirect.gather [hbm4b:s1+s9], $0x80, s25, s9, $0xb8;
	[tilespmem:$0x1D000] =	vst v63  }
0x4a: {  	_ =	swait.ge [sflag:s16], $0x4000  }
.Ltmp0:
0x4b: {  	[sflag:s16] =	ssyncset.done $0x0;
	(pc) =	sbr.rel @p0 .LBB2_2-.Ltmp0, $4  }
0x4c: {  	[sflag:s16] =	ssyncadd.s32 $0xFFFFC000  }
0x4d: {  	[spmem:s4] =	stream.indirect.scatter.add.f32 [tilespmem:s15], [sflag:$0x2], $0x80, s17, s9, $0xb8;
	[tilespmem:$0x1D000] =	vst v63  }
0x4e: {  	_ =	swait.ge [sflag:s11], $0x4000  }
0x4f: {  	s26 =	smov.u32 s24;
	[sflag:s11] =	ssyncset.done $0x0  }
0x50: {  	s23 =	sshra.s32 s23, $0x2;
	[sflag:s11] =	ssyncadd.s32 $0xFFFFC000  }
0x51: {  	v0 =	vld [tilespmem:s23+$0x2780];
	_ =	sdelay $0x4  }
0x52: {  	[tilespmem:$0x4F00] =	vst v0  }
0x53: {  	v0 =	vld [tilespmem:s23+$0x2790];
	_ =	sdelay $0x4  }
0x54: {  	[tilespmem:$0x4F10] =	vst v0  }
0x55: {  	v0 =	vld [tilespmem:s23+$0x27A0];
	_ =	sdelay $0x4  }
0x56: {  	[tilespmem:$0x4F20] =	vst v0  }
0x57: {  	v0 =	vld [tilespmem:s23+$0x27B0];
	_ =	sdelay $0x4  }
0x58: {  	[tilespmem:$0x4F30] =	vst v0  }
0x59: {  	v0 =	vld [tilespmem:s23+$0x27C0];
	_ =	sdelay $0x4  }
0x5a: {  	[tilespmem:$0x4F40] =	vst v0  }
0x5b: {  	v0 =	vld [tilespmem:s23+$0x27D0];
	_ =	sdelay $0x4  }
0x5c: {  	[tilespmem:$0x4F50] =	vst v0  }
0x5d: {  	v0 =	vld [tilespmem:s23+$0x27E0];
	_ =	sdelay $0x4  }
0x5e: {  	[tilespmem:$0x4F60] =	vst v0  }
0x5f: {  	v0 =	vld [tilespmem:s23+$0x27F0];
	_ =	sdelay $0x4  }
0x60: {  	[tilespmem:$0x4F70] =	vst v0  }
0x61: {  	[tilespmem:s15], [sflag:$0x1] =	stream.indirect.gather [hbm4b:s1+s9], $0x80, s23, s9, $0xb8;
	[tilespmem:$0x1D000] =	vst v63  }
0x62: {  	_ =	swait.ge [sflag:s16], $0x4000  }
0x63: {  	[sflag:s16] =	ssyncset.done $0x0  }
0x64: {  	[sflag:s16] =	ssyncadd.s32 $0xFFFFC000  }
0x65: {  	[spmem:s4] =	stream.indirect.scatter.add.f32 [tilespmem:s15], [sflag:$0x2], $0x80, s17, s9, $0xb8;
	[tilespmem:$0x1D000] =	vst v63  }
0x66: {  	_ =	swait.ge [sflag:s11], $0x4000  }
0x67: {  	[sflag:s11] =	ssyncset.done $0x0  }
0x68: {  	[sflag:s11] =	ssyncadd.s32 $0xFFFFC000  }
0x69: {  	v63 =	vld [tilespmem:$0x4E80];
	_ =	sdelay $0x4  }
0x6a: {  	[tilespmem:$0x4F80] =	vst v63  }
0x6b: {  	[tilespmem:s15], [sflag:$0x1] =	stream.indirect.gather [hbm4b:s1+s18], $0x80, s19, s18, $0xb8;
	[tilespmem:$0x1D000] =	vst v63  }
0x6c: {  	_ =	swait.ge [sflag:s16], $0x800  }
0x6d: {  	[sflag:s16] =	ssyncset.done $0x0  }
0x6e: {  	[sflag:s16] =	ssyncadd.s32 $0xFFFFF800  }
0x6f: {  	[spmem:s4] =	stream.indirect.scatter.add.f32 [tilespmem:s15], [sflag:$0x2], $0x80, s20, s18, $0xb8;
	[tilespmem:$0x1D000] =	vst v63  }
0x70: {  	_ =	swait.ge [sflag:s11], $0x800  }
0x71: {  	s22 =	sadd.s32 $0x1, s22;
	[sflag:s11] =	ssyncset.done $0x0  }
0x72: {  	p0 =	sne.s32 s22, s8;
	[sflag:s11] =	ssyncadd.s32 $0xFFFFF800  }
.Ltmp1:
0x73: {  	[bflag:$0x0] =	sbarrier.arrive $0xFFFF;
	(pc) =	sbr.rel @p0 .LBB2_1-.Ltmp1, $4  }
0x74: {  	[hbm:s21], [sflag:s13] =	dma.local [spmem:s14], $0x2800  }
0x75: {  	_ =	swait.ge [sflag:s11], $0x2800  }
0x76: {  	[sflag:s11] =	ssyncset.done $0x0  }
0x77: {  	[sflag:s11] =	ssyncadd.s32 $0xFFFFD800  }
0x78: {  	_ =	sfence.sel $0x180000  }
0x79: {  	[bflag:$0x0] =	sbarrier.arrive $0xFFFF  }
0x7a: {  	p0 =	sne.s32 s0, $0x0;
	_ =	strace $0x9000004D  }
0x7b: {  	s0 =	sadd.s32 @!p0 $0x100000, s2;
	[bflag:$0x2] =	sbarrier.arrive $0xFFFF  }
0x7c: {  	[sflag:s0] =	ssyncadd.tile.s32 @!p0 $0x1;
	_ =	shalt  }
.Lfunc_end2:
_tile_overlayer_lowered:
.L_overlay_start_2:
0x7d: {  	(tag) =	ssettag $0x2  }
0x7e: {  	s0 =	rddreg [dreg:$0x0];
	s2 =	stileid.u32  }
0x7f: {  	s1 =	rddreg [dreg:$0x1];
	p0 =	sne.s32 s2, $0x0  }
0x80: {  	s3 =	rddreg [dreg:$0x2];
	[bflag:$0x3] =	sbarrier.arrive $0xFFFF;
	s2 =	simm.s32 @!p0 $0x1C02  }
0x81: {  	[timem:s3], [sflag:s2] =	dma.local @!p0 [hbm:s0], s1  }
0x82: {  	s0 =	simm.s32 @!p0 $0x2  }
0x83: {  	_ =	swait.ge @!p0 [sflag:s0], s1  }
0x84: {  	s1 =	ssub.s32 @!p0 $0x0, s1;
	[sflag:s0] =	ssyncset.done @!p0 $0x0  }
0x85: {  	[sflag:s0] =	ssyncadd.s32 @!p0 s1  }
0x86: {  	[bflag:$0x3] =	sbarrier.arrive $0xFFFF  }
0x87: {  	_ =	shalt  }

// kernel: kernel.8.cloned.1.call-start
scs
__scs_entry_jumppad:
0x0: {  	(pc) =	sbr.rel $0x88, $3  }
0x1: {  	(tag) =	ssettag $0x0;
	lr =	simm.s32 $0x1  }
0x2: {  	[smem:$0x3F8C] =	sst lr;
	_ =	strace $0xD0000000  }
0x3: {  	_ = 	snop  }
0x4: {  	_ = 	snop  }
0x5: {  	_ = 	snop  }
0x6: {  	_ = 	snop  }
0x7: {  	_ = 	snop  }
__scs_overlays_trampoline_lowered:
0x8: {  	[smem:$0x3F9B] =	sst s0  }
0x9: {  	[smem:$0x3F9C] =	sst s1  }
0xa: {  	[smem:$0x3F9D] =	sst s2  }
0xb: {  	[smem:$0x3F9E] =	sst s3  }
0xc: {  	[smem:$0x3F9F] =	sst s4  }
0xd: {  	[smem:$0x3FA0] =	sst s5  }
0xe: {  	[smem:$0x3FA1] =	sst s6  }
0xf: {  	[smem:$0x3FA2] =	sst s7  }
0x10: {  	[smem:$0x3FA3] =	sst s8  }
0x11: {  	[smem:$0x3FA4] =	sst s9;
	s0 =	simm.s32 @!p0 $0x0  }
0x12: {  	s1 =	sld [smem:$0x3F8A];
	s0 =	simm.s32 @p0 $0x1  }
0x13: {  	[smem:$0x3FA5] =	sst s0;
	s0 =	simm.s32 @!p1 $0x0  }
0x14: {  	s2 =	sld [smem:$0x3F89];
	s0 =	simm.s32 @p1 $0x1  }
0x15: {  	[smem:$0x3FA6] =	sst s0;
	s0 =	simm.s32 @!p2 $0x0  }
0x16: {  	s3 =	sld [smem:$0x3FDB];
	s0 =	simm.s32 @p2 $0x1  }
0x17: {  	s4 =	simm.s32 $0x1BF5;
	[smem:$0x3FA8] =	sst s0  }
0x18: {  	s0 =	sld [smem:$0x3F8B];
	_ =	swait.ge [sflag:s4], $0x0  }
0x19: {  	s7 =	sld [smem:$0x3F8C]  }
0x1a: {  	s8 =	sadd.s32 $0xFFFFE003, lr  }
0x1b: {  	s9 =	sadd.s32 $0xFFFFFEF7, lr;
	s5 =	simm.s32 $0xFFFFFFFF;
	p2 =	slt.u32 s8, $0xFFFFF086  }
0x1c: {  	p1 =	slt.u32 s9, $0xF7A;
	s5 =	simm.s32 @!p2 $0x0  }
0x1d: {  	s5 =	simm.s32 @p1 $0x1;
	p0 =	seq.s32 s7, s2  }
0x1e: {  	s7 =	smul.u32 @!p0 $0xF7A, s2;
	p2 =	seq.s32 @!p0 s5, $0x0  }
0x1f: {  	s9 =	smul.u32 $0xF7A, s1;
	s8 =	simm.s32 @!p0 $0x1BF5;
	p2 =	por !p2, p0  }
0x20: {  	[sflag:s8] =	ssyncset.s32 @!p0 $0xFFFFF086;
	s6 =	sadd.s32 @!p0 s3, s7;
	s7 =	simm.s32 @!p0 $0x108  }
0x21: {  	s3 =	sadd.s32 s3, s9;
	s6 =	sadd.s32 @!p0 $0x88, s6;
	s7 =	simm.s32 @p2 $0x1082  }
0x22: {  	[simem:s7], [sflag:s8] =	dma.local @!p0 [hbm:s6], $0xF7A  }
0x23: {  	s9 =	sor.u32 $0xD0000000, s2;
	s6 =	simm.s32 $0x108;
	_ =	swait.ge @!p0 [sflag:s8], $0x0  }
0x24: {  	s3 =	sadd.s32 $0x88, s3;
	s6 =	simm.s32 @!p1 $0x1082;
	[sflag:s4] =	ssyncset.s32 $0xFFFFF086  }
0x25: {  	[simem:s6], [sflag:s4] =	dma.local [hbm:s3], $0xF7A  }
0x26: {  	[smem:$0x3F8C] =	sst s1;
	(tag) =	ssettag s2;
	_ =	strace s9  }
0x27: {  	s1 =	sld [smem:$0x3F9C]  }
0x28: {  	s2 =	sld [smem:$0x3F9D]  }
0x29: {  	s4 =	sld [smem:$0x3F9F]  }
0x2a: {  	p0 =	seq.s32 s5, $0x0;
	s5 =	sld [smem:$0x3FA0]  }
0x2b: {  	s6 =	sld [smem:$0x3FA1]  }
0x2c: {  	s7 =	sld [smem:$0x3FA2]  }
0x2d: {  	s3 =	simm.s32 $0x108;
	s8 =	sld [smem:$0x3FA3]  }
0x2e: {  	s3 =	simm.s32 @!p0 $0x1082;
	s9 =	sld [smem:$0x3FA4]  }
0x2f: {  	lr =	sadd.s32 s0, s3;
	s0 =	sld [smem:$0x3F9B]  }
0x30: {  	s3 =	sld [smem:$0x3F9E]  }
0x31: {  	[smem:$0x3FA7] =	sst s10  }
0x32: {  	s10 =	sld [smem:$0x3FA5];
	_ =	sdelay $0x3  }
0x33: {  	p0 =	seq.s32 s10, $0x1;
	s10 =	sld [smem:$0x3FA7];
	_ =	sdelay $0x3  }
0x34: {  	[smem:$0x3FA7] =	sst s10  }
0x35: {  	s10 =	sld [smem:$0x3FA6];
	_ =	sdelay $0x3  }
0x36: {  	p1 =	seq.s32 s10, $0x1;
	s10 =	sld [smem:$0x3FA7];
	_ =	sdelay $0x3  }
0x37: {  	[smem:$0x3FA7] =	sst s10  }
0x38: {  	s10 =	sld [smem:$0x3FA8]  }
0x39: {  	_ = 	snop;
	(pc) =	sbr.ind lr, $3  }
0x3a: {  	_ = 	snop  }
0x3b: {  	_ = 	snop  }
0x3c: {  	p2 =	seq.s32 s10, $0x1;
	s10 =	sld [smem:$0x3FA7]  }
0x3d: {  	_ =	shalt  }
0x3e: {  	_ =	shalt  }
0x3f: {  	_ =	shalt  }
0x40: {  	_ =	shalt  }
0x41: {  	_ =	shalt  }
0x42: {  	_ =	shalt  }
0x43: {  	_ =	shalt  }
0x44: {  	_ =	shalt  }
0x45: {  	_ =	shalt  }
0x46: {  	_ =	shalt  }
0x47: {  	_ =	shalt  }
0x48: {  	_ =	shalt  }
0x49: {  	_ =	shalt  }
0x4a: {  	_ =	shalt  }
0x4b: {  	_ =	shalt  }
0x4c: {  	_ =	shalt  }
0x4d: {  	_ =	shalt  }
0x4e: {  	_ =	shalt  }
0x4f: {  	_ =	shalt  }
0x50: {  	_ =	shalt  }
0x51: {  	_ =	shalt  }
0x52: {  	_ =	shalt  }
0x53: {  	_ =	shalt  }
0x54: {  	_ =	shalt  }
0x55: {  	_ =	shalt  }
0x56: {  	_ =	shalt  }
0x57: {  	_ =	shalt  }
0x58: {  	_ =	shalt  }
0x59: {  	_ =	shalt  }
0x5a: {  	_ =	shalt  }
0x5b: {  	_ =	shalt  }
0x5c: {  	_ =	shalt  }
0x5d: {  	_ =	shalt  }
0x5e: {  	_ =	shalt  }
0x5f: {  	_ =	shalt  }
0x60: {  	_ =	shalt  }
0x61: {  	_ =	shalt  }
0x62: {  	_ =	shalt  }
0x63: {  	_ =	shalt  }
0x64: {  	_ =	shalt  }
0x65: {  	_ =	shalt  }
0x66: {  	_ =	shalt  }
0x67: {  	_ =	shalt  }
0x68: {  	_ =	shalt  }
0x69: {  	_ =	shalt  }
0x6a: {  	_ =	shalt  }
0x6b: {  	_ =	shalt  }
0x6c: {  	_ =	shalt  }
0x6d: {  	_ =	shalt  }
0x6e: {  	_ =	shalt  }
0x6f: {  	_ =	shalt  }
0x70: {  	_ =	shalt  }
0x71: {  	_ =	shalt  }
0x72: {  	_ =	shalt  }
0x73: {  	_ =	shalt  }
0x74: {  	_ =	shalt  }
0x75: {  	_ =	shalt  }
0x76: {  	_ =	shalt  }
0x77: {  	_ =	shalt  }
0x78: {  	_ =	shalt  }
0x79: {  	_ =	shalt  }
0x7a: {  	_ =	shalt  }
0x7b: {  	_ =	shalt  }
0x7c: {  	_ =	shalt  }
0x7d: {  	_ =	shalt  }
0x7e: {  	_ =	shalt  }
0x7f: {  	_ =	shalt  }
0x80: {  	_ =	shalt  }
0x81: {  	_ =	shalt  }
0x82: {  	_ =	shalt  }
0x83: {  	_ =	shalt  }
0x84: {  	_ =	shalt  }
0x85: {  	_ =	shalt  }
0x86: {  	_ =	shalt  }
0x87: {  	_ =	shalt  }
.Lfunc_end0:
.L_simem_size_0:
called_computation_lowered:
.L_overlay_start_0:
0x88: {  	s2 =	sld [smem:$0x3FD9]  }
0x89: {  	s3 =	sld [smem:$0x3FFE];
	_ =	sdelay $0x1  }
0x8a: {  	s1 =	srdreg.scid  }
0x8b: {  	s0 =	sand.u32 $0x1, s1  }
0x8c: {  	s14 =	sshll.u32 s0, $0xA;
	s2 =	sadd.s32 s3, s2  }
0x8d: {  	s2 =	sadd.s32 s2, s14  }
0x8e: {  	[smem:$0x3FB3] =	sst s2  }
0x8f: {  	_ = 	snop  }
0x90: {  	s2 =	sld [smem:$0x3FD0];
	_ =	sdelay $0x2  }
0x91: {  	s4 =	simm.s32 $0xA;
	s5 =	simm.s32 $0x10;
	s15 =	sld [smem:$0x3FC9]  }
0x92: {  	[smem:s5], [sflag:s4] =	dma.local [hbm:s2], $0x1  }
0x93: {  	_ =	swait.eq [sflag:s4], $0x1  }
0x94: {  	[sflag:s4] =	ssyncset.done $0x0  }
0x95: {  	s16 =	sld [smem:$0x10];
	[sflag:s4] =	ssyncadd.s32 $0xFFFFFFFF  }
0x96: {  	s17 =	sld [smem:$0x11];
	(tm) =	ssettm $0x1  }
0x97: {  	s18 =	sld [smem:$0x3FFB];
	_ =	sdelay $0x3  }
0x98: {  	_ =	strace s18  }
0x99: {  	s5 =	sld [smem:$0x3FFC];
	_ =	sdelay $0x3  }
0x9a: {  	_ =	strace s5  }
0x9b: {  	s5 =	sld [smem:$0x3FFD];
	_ =	sdelay $0x3  }
0x9c: {  	_ =	strace s5  }
0x9d: {  	_ =	strace $0x8FFFFFFF  }
0x9e: {  	s19 =	sld [smem:$0x3FDB];
	_ =	sdelay $0x1  }
0x9f: {  	s6 =	simm.s32 $_scs_section_size  }
0xa0: {  	s7 =	simm.s32 $_size__tile_overlayer_lowered;
	s8 =	simm.s32 $_tile_overlayer_lowered  }
0xa1: {  	s22 =	simm.s32 $0x1BFF;
	s21 =	sshll.u32 s8, $0x1;
	s5 =	sadd.s32 s6, s19  }
0xa2: {  	s9 =	simm.s32 $0x0;
	s20 =	sshll.u32 s7, $0x1;
	s7 =	sadd.s32 s21, s5  }
0xa3: {  	[timem:s9], [sflag:s22] =	dma.local [hbm:s7], s20  }
0xa4: {  	_ =	swait.ge [sflag:s22], s20  }
0xa5: {  	s6 =	ssub.s32 $0x0, s20;
	[sflag:s22] =	ssyncset.done $0x0  }
0xa6: {  	[sflag:s22] =	ssyncadd.s32 s6;
	_ =	sdelay $0x1  }
0xa7: {  	s23 =	simm.s32 $0x1B8B  }
0xa8: {  	_ =	swait.ge [sflag:s23], $0x1  }
0xa9: {  	[sflag:s23] =	ssyncset.done $0x0  }
0xaa: {  	s25 =	simm.s32 $0x1B8E;
	s24 =	sld [smem:$0x3FFE];
	[sflag:s23] =	ssyncadd.s32 $0xFFFFFFFF  }
0xab: {  	s26 =	simm.s32 $execute0_lowered;
	[smem:$0x3FD2] =	sst s25  }
0xac: {  	s7 =	sshll.u32 s26, $0x1;
	_ =	strace $0x80000046;
	[dreg:$0x1] =	wrdreg $0xFFFFFFFF  }
0xad: {  	s28 =	simm.s32 $_size_execute0_lowered;
	s5 =	sadd.s32 s5, s7;
	[dreg:$0x0] =	wrdreg $0x0  }
0xae: {  	s7 =	sshll.u32 s28, $0x1;
	[dreg:$0x2] =	wrdreg s5  }
0xaf: {  	[dreg:$0x3] =	wrdreg s7  }
0xb0: {  	[dreg:$0x4] =	wrdreg $0xC0  }
0xb1: {  	_ =	task [dreg:s9], $0x5FFFF  }
0xb2: {  	[dreg:$0x1] =	wrdreg $0xFFFFFFFF  }
0xb3: {  	[dreg:$0x0] =	wrdreg $0x60  }
0xb4: {  	[dreg:$0x2] =	wrdreg s15  }
0xb5: {  	[dreg:$0x3] =	wrdreg s24  }
0xb6: {  	[dreg:$0x4] =	wrdreg s17  }
0xb7: {  	[dreg:$0x5] =	wrdreg s16  }
0xb8: {  	[dreg:$0x6] =	wrdreg $0x90000  }
0xb9: {  	[dreg:$0x7] =	wrdreg $0x9  }
0xba: {  	_ =	task.clear_ibuf [dreg:s9], $0x8FFFF;
	_ =	strace $0x90000046  }
0xbb: {  	s29 =	simm.s32 $0x9;
	_ =	strace $0x80000048  }
0xbc: {  	_ =	swait.ge [sflag:s29], $0x1  }
0xbd: {  	[sflag:s29] =	ssyncadd.s32 $0xFFFFFFFF  }
0xbe: {  	_ =	strace $0x90000048  }
0xbf: {  	_ =	sfence  }
0xc0: {  	s30 =	sld [smem:$0x0];
	_ =	sdelay $0x2  }
0xc1: {  	s31 =	sshll.u32 s1, $0xD;
	s1 =	sshrl.u32 s1, $0x2  }
0xc2: {  	s3 =	sand.u32 $0x4000, s31;
	s1 =	sadd.s32 s1, s30  }
0xc3: {  	s0 =	sor.u32 s3, s0;
	s1 =	sshll.u32 s1, $0x11  }
0xc4: {  	s0 =	sor.u32 s1, s0  }
0xc5: {  	s0 =	sadd.s32 $0x8F2B, s0  }
0xc6: {  	[sflag:s0] =	ssyncadd.remote.s32 $0x1  }
0xc7: {  	_ =	sfence.sel $0xFFFF  }
0xc8: {  	[dreg:$0x0] =	wrdreg $0xFFFFFFFF;
	(pc) =	sbr.abs _section_cstart, $3  }
0xc9: {  	[dreg:$0x1] =	wrdreg $0xFFFFFFFF  }
0xca: {  	_ =	task.clear_ibuf [dreg:s9], $0x2FFFF;
	_ =	strace $0x9FFFFFFF  }
0xcb: {  	(tm) =	ssettm $0x7FFFFFFF  }
tec
execute0_lowered:
.L_overlay_start_1:
0x0: {  	(tag) =	ssettag $0x1  }
0x1: {  	s0 =	rddreg [dreg:$0x0]  }
0x2: {  	s7 =	rddreg [dreg:$0x1]  }
0x3: {  	s2 =	rddreg [dreg:$0x2]  }
0x4: {  	s4 =	rddreg [dreg:$0x3]  }
0x5: {  	s1 =	srdreg.scid;
	s5 =	rddreg [dreg:$0x4]  }
0x6: {  	s6 =	simm.s32 $0x0;
	s13 =	simm.s32 $0x2780;
	s16 =	simm.s32 $0x5000  }
0x7: {  	s17 =	simm.s32 $0x4F00;
	s18 =	simm.s32 $0x10;
	s19 =	simm.s32 $0x4F80  }
0x8: {  	s21 =	simm.s32 $0x1;
	s8 =	sand.u32 $0x1, s1;
	s1 =	stileid.u32  }
0x9: {  	s22 =	simm.s32 $0x2700;
	[smem:$0x7FF] =	sst s6;
	s30 =	smul.u32 $0x28000, s8  }
0xa: {  	s3 =	sshll.u32 s8, $0x4;
	s10 =	sshll.u32 s1, $0x7;
	s12 =	smul.u32 $0x50000, s1  }
0xb: {  	s8 =	ssub.s32 $0x2, s8;
	s23 =	smul.u32 $0x2800, s1;
	s14 =	sshll.u32 s1, $0x6  }
0xc: {  	s9 =	sor.u32 s1, s3;
	s3 =	rddreg [dreg:$0x5];
	_ =	strace $0x80000047  }
0xd: {  	s10 =	sand.u32 $0x380, s10;
	s11 =	sshrl.u32 s8, $0x1;
	s9 =	sshrl.u32 s9, $0x3  }
0xe: {  	s14 =	sor.u32 $0x1C02, s14;
	s31 =	sshrl.u32 s12, $0x2;
	s9 =	smul.u32 $0x13C00, s9  }
0xf: {  	s11 =	ssub.s32 s8, s11;
	s12 =	simm.s32 $0x2;
	s15 =	sadd.s32 s31, s5  }
0x10: {  	s15 =	sshrl.u32 s15, $0x3;
	s9 =	sor.u32 s10, s9;
	s10 =	sadd.s32 s30, s7  }
0x11: {  	s9 =	sshrl.u32 s9, $0x3;
	s20 =	sadd.s32 $0x68200, s10;
	s24 =	sadd.s32 $0x18200, s10  }
0x12: {  	s10 =	simm.s32 $0x80;
	s9 =	sadd.s32 s9, s7;
	s20 =	sadd.s32 s23, s20  }
0x13: {  	s23 =	sadd.s32 s23, s24;
	s24 =	simm.s32 $0x0;
	s7 =	sadd.s32 $0xE400, s9  }
0x14: {  	s8 =	sadd.s32 $0x4600, s9;
	s9 =	smax.u32 s11, $0x1;
	s11 =	simm.s32 $0x400  }
.LBB2_1:
0x15: {  	[tilespmem:s6], [sflag:$0x2] =	stream.strided.gather [hbm4b:s7+s10], $0x2780, s11, s10, $0x38;
	[tilespmem:$0x1D000] =	vst v63  }
0x16: {  	_ =	swait.ge [sflag:s12], $0x2780  }
0x17: {  	[sflag:s12] =	ssyncset.done $0x0  }
0x18: {  	[sflag:s12] =	ssyncadd.s32 $0xFFFFD880  }
0x19: {  	[tilespmem:s13], [sflag:$0x2] =	stream.strided.gather [hbm4b:s8+s10], $0x2780, s11, s10, $0x38;
	[tilespmem:$0x1D000] =	vst v63  }
0x1a: {  	_ =	swait.ge [sflag:s12], $0x2780  }
0x1b: {  	[sflag:s12] =	ssyncset.done $0x0  }
0x1c: {  	[sflag:s12] =	ssyncadd.s32 $0xFFFFD880  }
0x1d: {  	[spmem:s15], [sflag:s14] =	dma.local [hbm:s2], $0x2800  }
0x1e: {  	_ =	swait.ge [sflag:s12], $0x2800  }
0x1f: {  	[sflag:s12] =	ssyncset.done $0x0  }
0x20: {  	[sflag:s12] =	ssyncadd.s32 $0xFFFFD800  }
0x21: {  	[tilespmem:s16], [sflag:$0x2] =	stream.linear.gather [hbm4b:s4+s6], $0x4000, $0x38;
	[tilespmem:$0x1D000] =	vst v63  }
0x22: {  	_ =	swait.ge [sflag:s12], $0x4000  }
0x23: {  	[sflag:s12] =	ssyncset.done $0x0  }
0x24: {  	[sflag:s12] =	ssyncadd.s32 $0xFFFFC000  }
0x25: {  	s25 =	simm.s32 $0x0;
	[bflag:$0x0] =	sbarrier.arrive $0xFFFF  }
0x26: {  	v0 =	vld [tilespmem:s25+$0x2780];
	_ =	sdelay $0x4  }
0x27: {  	[tilespmem:$0x4F00] =	vst v0  }
0x28: {  	v0 =	vld [tilespmem:s25+$0x2790];
	_ =	sdelay $0x4  }
0x29: {  	[tilespmem:$0x4F10] =	vst v0  }
0x2a: {  	v0 =	vld [tilespmem:s25+$0x27A0];
	_ =	sdelay $0x4  }
0x2b: {  	[tilespmem:$0x4F20] =	vst v0  }
0x2c: {  	v0 =	vld [tilespmem:s25+$0x27B0];
	_ =	sdelay $0x4  }
0x2d: {  	[tilespmem:$0x4F30] =	vst v0  }
0x2e: {  	v0 =	vld [tilespmem:s25+$0x27C0];
	_ =	sdelay $0x4  }
0x2f: {  	[tilespmem:$0x4F40] =	vst v0  }
0x30: {  	v0 =	vld [tilespmem:s25+$0x27D0];
	_ =	sdelay $0x4  }
0x31: {  	[tilespmem:$0x4F50] =	vst v0  }
0x32: {  	v0 =	vld [tilespmem:s25+$0x27E0];
	_ =	sdelay $0x4  }
0x33: {  	[tilespmem:$0x4F60] =	vst v0  }
0x34: {  	v0 =	vld [tilespmem:s25+$0x27F0];
	_ =	sdelay $0x4  }
0x35: {  	[tilespmem:$0x4F70] =	vst v0  }
0x36: {  	[spmem:s5] =	stream.indirect.scatter.add.f32 [tilespmem:s16], [sflag:$0x2], $0x80, s17, s10, $0xb8;
	[tilespmem:$0x1D000] =	vst v63  }
0x37: {  	_ =	swait.ge [sflag:s12], $0x4000  }
0x38: {  	s28 =	simm.s32 $0x400;
	s25 =	simm.s32 $0x200;
	[sflag:s12] =	ssyncset.done $0x0  }
.LBB2_2:
0x39: {  	s29 =	sshra.s32 s25, $0x2  }
0x3a: {  	[sflag:s12] =	ssyncadd.s32 $0xFFFFC000;
	s25 =	smov.u32 s28;
	s26 =	sadd.s32 $0x200, s28  }
0x3b: {  	p0 =	sne.s32 s28, $0x9A00;
	v0 =	vld [tilespmem:s29+$0x2780];
	_ =	sdelay $0x4  }
0x3c: {  	[tilespmem:$0x4F00] =	vst v0  }
0x3d: {  	v0 =	vld [tilespmem:s29+$0x2790];
	_ =	sdelay $0x4  }
0x3e: {  	[tilespmem:$0x4F10] =	vst v0  }
0x3f: {  	v0 =	vld [tilespmem:s29+$0x27A0];
	_ =	sdelay $0x4  }
0x40: {  	[tilespmem:$0x4F20] =	vst v0  }
0x41: {  	v0 =	vld [tilespmem:s29+$0x27B0];
	_ =	sdelay $0x4  }
0x42: {  	[tilespmem:$0x4F30] =	vst v0  }
0x43: {  	v0 =	vld [tilespmem:s29+$0x27C0];
	_ =	sdelay $0x4  }
0x44: {  	[tilespmem:$0x4F40] =	vst v0  }
0x45: {  	v0 =	vld [tilespmem:s29+$0x27D0];
	_ =	sdelay $0x4  }
0x46: {  	[tilespmem:$0x4F50] =	vst v0  }
0x47: {  	v0 =	vld [tilespmem:s29+$0x27E0];
	_ =	sdelay $0x4  }
0x48: {  	[tilespmem:$0x4F60] =	vst v0  }
0x49: {  	v0 =	vld [tilespmem:s29+$0x27F0];
	_ =	sdelay $0x3  }
.Ltmp0:
0x4a: {  	(pc) =	sbr.rel @p0 .LBB2_2-.Ltmp0, $4  }
0x4b: {  	[tilespmem:$0x4F70] =	vst v0  }
0x4c: {  	[spmem:s5] =	stream.indirect.scatter.add.f32 [tilespmem:s16], [sflag:$0x2], $0x80, s17, s10, $0xb8;
	[tilespmem:$0x1D000] =	vst v63  }
0x4d: {  	_ =	swait.ge [sflag:s12], $0x4000  }
0x4e: {  	s28 =	smov.u32 s26;
	[sflag:s12] =	ssyncset.done $0x0  }
0x4f: {  	s25 =	sshra.s32 s25, $0x2;
	[sflag:s12] =	ssyncadd.s32 $0xFFFFC000  }
0x50: {  	v0 =	vld [tilespmem:s25+$0x2780];
	_ =	sdelay $0x4  }
0x51: {  	[tilespmem:$0x4F00] =	vst v0  }
0x52: {  	v0 =	vld [tilespmem:s25+$0x2790];
	_ =	sdelay $0x4  }
0x53: {  	[tilespmem:$0x4F10] =	vst v0  }
0x54: {  	v0 =	vld [tilespmem:s25+$0x27A0];
	_ =	sdelay $0x4  }
0x55: {  	[tilespmem:$0x4F20] =	vst v0  }
0x56: {  	v0 =	vld [tilespmem:s25+$0x27B0];
	_ =	sdelay $0x4  }
0x57: {  	[tilespmem:$0x4F30] =	vst v0  }
0x58: {  	v0 =	vld [tilespmem:s25+$0x27C0];
	_ =	sdelay $0x4  }
0x59: {  	[tilespmem:$0x4F40] =	vst v0  }
0x5a: {  	v0 =	vld [tilespmem:s25+$0x27D0];
	_ =	sdelay $0x4  }
0x5b: {  	[tilespmem:$0x4F50] =	vst v0  }
0x5c: {  	v0 =	vld [tilespmem:s25+$0x27E0];
	_ =	sdelay $0x4  }
0x5d: {  	[tilespmem:$0x4F60] =	vst v0  }
0x5e: {  	v0 =	vld [tilespmem:s25+$0x27F0];
	_ =	sdelay $0x4  }
0x5f: {  	[tilespmem:$0x4F70] =	vst v0  }
0x60: {  	[spmem:s5] =	stream.indirect.scatter.add.f32 [tilespmem:s16], [sflag:$0x2], $0x80, s17, s10, $0xb8;
	[tilespmem:$0x1D000] =	vst v63  }
0x61: {  	_ =	swait.ge [sflag:s12], $0x4000  }
0x62: {  	[sflag:s12] =	ssyncset.done $0x0  }
0x63: {  	[sflag:s12] =	ssyncadd.s32 $0xFFFFC000  }
0x64: {  	v62 =	vld [tilespmem:$0x4E80];
	_ =	sdelay $0x4  }
0x65: {  	[tilespmem:$0x4F80] =	vst v62  }
0x66: {  	[spmem:s5] =	stream.indirect.scatter.add.f32 [tilespmem:s16], [sflag:$0x2], $0x80, s19, s18, $0xb8;
	[tilespmem:$0x1D000] =	vst v63  }
0x67: {  	_ =	swait.ge [sflag:s12], $0x800  }
0x68: {  	[sflag:s12] =	ssyncset.done $0x0  }
0x69: {  	[sflag:s12] =	ssyncadd.s32 $0xFFFFF800  }
0x6a: {  	[bflag:$0x0] =	sbarrier.arrive $0xFFFF  }
0x6b: {  	[hbm:s20], [sflag:s14] =	dma.local [spmem:s15], $0x2800  }
0x6c: {  	_ =	swait.ge [sflag:s12], $0x2800  }
0x6d: {  	[sflag:s12] =	ssyncset.done $0x0  }
0x6e: {  	[sflag:s12] =	ssyncadd.s32 $0xFFFFD800  }
0x6f: {  	[spmem:s15], [sflag:s14] =	dma.local [hbm:s2], $0x2800  }
0x70: {  	_ =	swait.ge [sflag:s12], $0x2800  }
0x71: {  	[sflag:s12] =	ssyncset.done $0x0  }
0x72: {  	[sflag:s12] =	ssyncadd.s32 $0xFFFFD800  }
0x73: {  	s31 =	simm.s32 $0x0;
	[bflag:$0x0] =	sbarrier.arrive $0xFFFF  }
0x74: {  	v63 =	vld [tilespmem:s31+$0x2780];
	_ =	sdelay $0x4  }
0x75: {  	[tilespmem:$0x4F00] =	vst v63  }
0x76: {  	v0 =	vld [tilespmem:s31+$0x2790];
	_ =	sdelay $0x4  }
0x77: {  	[tilespmem:$0x4F10] =	vst v0  }
0x78: {  	v0 =	vld [tilespmem:s31+$0x27A0];
	_ =	sdelay $0x4  }
0x79: {  	[tilespmem:$0x4F20] =	vst v0  }
0x7a: {  	v0 =	vld [tilespmem:s31+$0x27B0];
	_ =	sdelay $0x4  }
0x7b: {  	[tilespmem:$0x4F30] =	vst v0  }
0x7c: {  	v0 =	vld [tilespmem:s31+$0x27C0];
	_ =	sdelay $0x4  }
0x7d: {  	[tilespmem:$0x4F40] =	vst v0  }
0x7e: {  	v0 =	vld [tilespmem:s31+$0x27D0];
	_ =	sdelay $0x4  }
0x7f: {  	[tilespmem:$0x4F50] =	vst v0  }
0x80: {  	v0 =	vld [tilespmem:s31+$0x27E0];
	_ =	sdelay $0x4  }
0x81: {  	[tilespmem:$0x4F60] =	vst v0  }
0x82: {  	v0 =	vld [tilespmem:s31+$0x27F0];
	_ =	sdelay $0x4  }
0x83: {  	[tilespmem:$0x4F70] =	vst v0  }
0x84: {  	[tilespmem:s16], [sflag:$0x1] =	stream.indirect.gather [hbm4b:s0+s10], $0x80, s31, s10, $0xb8;
	[tilespmem:$0x1D000] =	vst v63  }
0x85: {  	_ =	swait.ge [sflag:s21], $0x4000  }
0x86: {  	[sflag:s21] =	ssyncset.done $0x0  }
0x87: {  	[sflag:s21] =	ssyncadd.s32 $0xFFFFC000  }
0x88: {  	[spmem:s5] =	stream.indirect.scatter.add.f32 [tilespmem:s16], [sflag:$0x2], $0x80, s17, s10, $0xb8;
	[tilespmem:$0x1D000] =	vst v63  }
0x89: {  	_ =	swait.ge [sflag:s12], $0x4000  }
0x8a: {  	s29 =	simm.s32 $0x400;
	s25 =	simm.s32 $0x200;
	[sflag:s12] =	ssyncset.done $0x0  }
.LBB2_4:
0x8b: {  	s28 =	sshra.s32 s25, $0x2  }
0x8c: {  	[sflag:s12] =	ssyncadd.s32 $0xFFFFC000;
	s25 =	smov.u32 s29;
	s26 =	sadd.s32 $0x200, s29  }
0x8d: {  	p0 =	sne.s32 s29, $0x9A00;
	v0 =	vld [tilespmem:s28+$0x2780];
	_ =	sdelay $0x4  }
0x8e: {  	[tilespmem:$0x4F00] =	vst v0  }
0x8f: {  	v0 =	vld [tilespmem:s28+$0x2790];
	_ =	sdelay $0x4  }
0x90: {  	[tilespmem:$0x4F10] =	vst v0  }
0x91: {  	v0 =	vld [tilespmem:s28+$0x27A0];
	_ =	sdelay $0x4  }
0x92: {  	[tilespmem:$0x4F20] =	vst v0  }
0x93: {  	v0 =	vld [tilespmem:s28+$0x27B0];
	_ =	sdelay $0x4  }
0x94: {  	[tilespmem:$0x4F30] =	vst v0  }
0x95: {  	v0 =	vld [tilespmem:s28+$0x27C0];
	_ =	sdelay $0x4  }
0x96: {  	[tilespmem:$0x4F40] =	vst v0  }
0x97: {  	v0 =	vld [tilespmem:s28+$0x27D0];
	_ =	sdelay $0x4  }
0x98: {  	[tilespmem:$0x4F50] =	vst v0  }
0x99: {  	v0 =	vld [tilespmem:s28+$0x27E0];
	_ =	sdelay $0x4  }
0x9a: {  	[tilespmem:$0x4F60] =	vst v0  }
0x9b: {  	v0 =	vld [tilespmem:s28+$0x27F0];
	_ =	sdelay $0x4  }
0x9c: {  	[tilespmem:$0x4F70] =	vst v0  }
0x9d: {  	[tilespmem:s16], [sflag:$0x1] =	stream.indirect.gather [hbm4b:s0+s10], $0x80, s28, s10, $0xb8;
	[tilespmem:$0x1D000] =	vst v63  }
0x9e: {  	_ =	swait.ge [sflag:s21], $0x4000  }
.Ltmp1:
0x9f: {  	[sflag:s21] =	ssyncset.done $0x0;
	(pc) =	sbr.rel @p0 .LBB2_4-.Ltmp1, $4  }
0xa0: {  	[sflag:s21] =	ssyncadd.s32 $0xFFFFC000  }
0xa1: {  	[spmem:s5] =	stream.indirect.scatter.add.f32 [tilespmem:s16], [sflag:$0x2], $0x80, s17, s10, $0xb8;
	[tilespmem:$0x1D000] =	vst v63  }
0xa2: {  	_ =	swait.ge [sflag:s12], $0x4000  }
0xa3: {  	s29 =	smov.u32 s26;
	[sflag:s12] =	ssyncset.done $0x0  }
0xa4: {  	s25 =	sshra.s32 s25, $0x2;
	[sflag:s12] =	ssyncadd.s32 $0xFFFFC000  }
0xa5: {  	v0 =	vld [tilespmem:s25+$0x2780];
	_ =	sdelay $0x4  }
0xa6: {  	[tilespmem:$0x4F00] =	vst v0  }
0xa7: {  	v0 =	vld [tilespmem:s25+$0x2790];
	_ =	sdelay $0x4  }
0xa8: {  	[tilespmem:$0x4F10] =	vst v0  }
0xa9: {  	v0 =	vld [tilespmem:s25+$0x27A0];
	_ =	sdelay $0x4  }
0xaa: {  	[tilespmem:$0x4F20] =	vst v0  }
0xab: {  	v0 =	vld [tilespmem:s25+$0x27B0];
	_ =	sdelay $0x4  }
0xac: {  	[tilespmem:$0x4F30] =	vst v0  }
0xad: {  	v0 =	vld [tilespmem:s25+$0x27C0];
	_ =	sdelay $0x4  }
0xae: {  	[tilespmem:$0x4F40] =	vst v0  }
0xaf: {  	v0 =	vld [tilespmem:s25+$0x27D0];
	_ =	sdelay $0x4  }
0xb0: {  	[tilespmem:$0x4F50] =	vst v0  }
0xb1: {  	v0 =	vld [tilespmem:s25+$0x27E0];
	_ =	sdelay $0x4  }
0xb2: {  	[tilespmem:$0x4F60] =	vst v0  }
0xb3: {  	v0 =	vld [tilespmem:s25+$0x27F0];
	_ =	sdelay $0x4  }
0xb4: {  	[tilespmem:$0x4F70] =	vst v0  }
0xb5: {  	[tilespmem:s16], [sflag:$0x1] =	stream.indirect.gather [hbm4b:s0+s10], $0x80, s25, s10, $0xb8;
	[tilespmem:$0x1D000] =	vst v63  }
0xb6: {  	_ =	swait.ge [sflag:s21], $0x4000  }
0xb7: {  	[sflag:s21] =	ssyncset.done $0x0  }
0xb8: {  	[sflag:s21] =	ssyncadd.s32 $0xFFFFC000  }
0xb9: {  	[spmem:s5] =	stream.indirect.scatter.add.f32 [tilespmem:s16], [sflag:$0x2], $0x80, s17, s10, $0xb8;
	[tilespmem:$0x1D000] =	vst v63  }
0xba: {  	_ =	swait.ge [sflag:s12], $0x4000  }
0xbb: {  	[sflag:s12] =	ssyncset.done $0x0  }
0xbc: {  	[sflag:s12] =	ssyncadd.s32 $0xFFFFC000  }
0xbd: {  	v63 =	vld [tilespmem:$0x4E80];
	_ =	sdelay $0x4  }
0xbe: {  	[tilespmem:$0x4F80] =	vst v63  }
0xbf: {  	[tilespmem:s16], [sflag:$0x1] =	stream.indirect.gather [hbm4b:s0+s18], $0x80, s22, s18, $0xb8;
	[tilespmem:$0x1D000] =	vst v63  }
0xc0: {  	_ =	swait.ge [sflag:s21], $0x800  }
0xc1: {  	[sflag:s21] =	ssyncset.done $0x0  }
0xc2: {  	[sflag:s21] =	ssyncadd.s32 $0xFFFFF800  }
0xc3: {  	[spmem:s5] =	stream.indirect.scatter.add.f32 [tilespmem:s16], [sflag:$0x2], $0x80, s19, s18, $0xb8;
	[tilespmem:$0x1D000] =	vst v63  }
0xc4: {  	_ =	swait.ge [sflag:s12], $0x800  }
0xc5: {  	s24 =	sadd.s32 $0x1, s24;
	[sflag:s12] =	ssyncset.done $0x0  }
0xc6: {  	p0 =	sne.s32 s24, s9;
	[sflag:s12] =	ssyncadd.s32 $0xFFFFF800  }
.Ltmp2:
0xc7: {  	[bflag:$0x0] =	sbarrier.arrive $0xFFFF;
	(pc) =	sbr.rel @p0 .LBB2_1-.Ltmp2, $4  }
0xc8: {  	[hbm:s23], [sflag:s14] =	dma.local [spmem:s15], $0x2800  }
0xc9: {  	_ =	swait.ge [sflag:s12], $0x2800  }
0xca: {  	[sflag:s12] =	ssyncset.done $0x0  }
0xcb: {  	[sflag:s12] =	ssyncadd.s32 $0xFFFFD800  }
0xcc: {  	_ =	sfence.sel $0x180000  }
0xcd: {  	[bflag:$0x0] =	sbarrier.arrive $0xFFFF  }
0xce: {  	p0 =	sne.s32 s1, $0x0;
	_ =	strace $0x90000047  }
0xcf: {  	s0 =	sadd.s32 @!p0 $0x100000, s3;
	[bflag:$0x2] =	sbarrier.arrive $0xFFFF  }
0xd0: {  	[sflag:s0] =	ssyncadd.tile.s32 @!p0 $0x1;
	_ =	shalt  }
.Lfunc_end2:
_tile_overlayer_lowered:
.L_overlay_start_2:
0xd1: {  	(tag) =	ssettag $0x2  }
0xd2: {  	s0 =	rddreg [dreg:$0x0];
	s2 =	stileid.u32  }
0xd3: {  	s1 =	rddreg [dreg:$0x1];
	p0 =	sne.s32 s2, $0x0  }
0xd4: {  	s3 =	rddreg [dreg:$0x2];
	[bflag:$0x3] =	sbarrier.arrive $0xFFFF;
	s2 =	simm.s32 @!p0 $0x1C02  }
0xd5: {  	[timem:s3], [sflag:s2] =	dma.local @!p0 [hbm:s0], s1  }
0xd6: {  	s0 =	simm.s32 @!p0 $0x2  }
0xd7: {  	_ =	swait.ge @!p0 [sflag:s0], s1  }
0xd8: {  	s1 =	ssub.s32 @!p0 $0x0, s1;
	[sflag:s0] =	ssyncset.done @!p0 $0x0  }
0xd9: {  	[sflag:s0] =	ssyncadd.s32 @!p0 s1  }
0xda: {  	[bflag:$0x3] =	sbarrier.arrive $0xFFFF  }
0xdb: {  	_ =	shalt  }

</sc_bundles>
